<compile_context>
chip_gen: v7x
topology: tpu7x:2x2x1
jax: 0.10.2.dev20260603
libtpu: 0.0.44.dev20260713+nightly
codegen_flags: <defaults>
</compile_context>

<pallas_src>
import functools

import jax
import jax.numpy as jnp
from jax import lax
from jax.experimental import pallas as pl
from jax.experimental.pallas import tpu as pltpu
from jax.experimental.pallas import tpu_sc as plsc

B, C, H, W, K = 16, 2, 128, 128, 128
HW = H * W
L = 16
NCHUNK = K // L

_mesh = plsc.VectorSubcoreMesh(core_axis_name="c", subcore_axis_name="s",
                               num_cores=1)


@functools.partial(
    pl.kernel,
    mesh=_mesh,
    out_type=jax.ShapeDtypeStruct((L,), jnp.float32),
    scratch_types=[
        pltpu.VMEM((2, K), jnp.int32),
        pltpu.VMEM((K,), jnp.float32),
        pltpu.VMEM((K,), jnp.int32),
        pltpu.VMEM((K,), jnp.int32),
        pltpu.VMEM((K,), jnp.float32),
        pltpu.VMEM((K,), jnp.float32),
        pltpu.VMEM((L,), jnp.float32),
        pltpu.VMEM((16 * L,), jnp.float32),
        pltpu.VMEM_SHARED((16 * L,), jnp.float32),
        pltpu.SemaphoreType.DMA,
        pltpu.SemaphoreType.DMA,
        pltpu.SemaphoreType.DMA,
    ],
)
def _confidence_loss_sc(flat_hbm, ind_hbm, mask_hbm, tgt_hbm, out_hbm,
                        im_v, tgt_v, idx0_v, idx1_v, p0_v, p1_v, stage_v,
                        all_v, shared_slots, sem0, sem1, sem2):
    s = lax.axis_index("s")

    def _work():
        base = s * K
        cp_ind = pltpu.async_copy(ind_hbm.at[pl.ds(base, K)], im_v.at[0],
                                  sem0)
        cp_msk = pltpu.async_copy(mask_hbm.at[pl.ds(base, K)], im_v.at[1],
                                  sem1)
        cp_tgt = pltpu.async_copy(tgt_hbm.at[pl.ds(base, K)], tgt_v, sem2)
        cp_ind.wait()
        base0 = s * (C * HW)
        for j in range(NCHUNK):
            sl = pl.ds(j * L, L)
            iv = im_v[0, sl]
            idx0_v[sl] = iv + base0
            idx1_v[sl] = iv + (base0 + HW)
        cp0 = pltpu.async_copy(flat_hbm.at[idx0_v], p0_v, sem0)
        cp1 = pltpu.async_copy(flat_hbm.at[idx1_v], p1_v, sem1)
        cp_msk.wait()
        cp_tgt.wait()
        cp0.wait()
        cp1.wait()
        acc = jnp.zeros((L,), jnp.float32)
        for j in range(NCHUNK):
            sl = pl.ds(j * L, L)
            p0 = p0_v[sl]
            p1 = p1_v[sl]
            m = im_v[1, sl].astype(jnp.float32)
            t = tgt_v[sl]
            a = jnp.abs(p0 - t)
            conf = 1.0 - jnp.exp(-a / t)
            acc = acc + m * (a + jnp.abs(p1 - conf))
        stage_v[...] = acc
        pltpu.sync_copy(stage_v, shared_slots.at[pl.ds(s * L, L)])

    _work()
    plsc.subcore_barrier()

    @pl.when(s == 0)
    def _reduce():
        pltpu.sync_copy(shared_slots, all_v)
        tot = jnp.zeros((L,), jnp.float32)
        for i in range(16):
            tot = tot + all_v[pl.ds(i * L, L)]
        total = jnp.float32(0.0)
        for i in range(L):
            total = total + tot[i]
        total = total * (1.0 / (B * K))
        stage_v[...] = jnp.full((L,), total, jnp.float32)
        pltpu.sync_copy(stage_v, out_hbm)


def kernel(output, mask, ind, target):
    flat = output.reshape(-1)
    ind_flat = ind.reshape(-1)
    mask_flat = mask.reshape(-1)
    tgt_flat = target.reshape(-1)
    out = _confidence_loss_sc(flat, ind_flat, mask_flat, tgt_flat)
    return out[0]

# --- scband reference (transcript-rebuilt; emitter-appended) ---
"""Pipeline reference for scband-confidence-loss-65146063946225 (READ-ONLY COPY).

The authoritative reference and input builder live on the scoring server;
editing this copy changes nothing except your own understanding.
"""

import jax, jax.numpy as jnp
import numpy as np


def setup_inputs(seed: int = 0) -> dict:
    key = jax.random.key(seed)
    k1, k2, k3, k4 = jax.random.split(key, 4)
    B, C, H, W, K = 16, 2, 128, 128, 128
    output = jax.random.normal(k1, (B, C, H, W), dtype=jnp.float32)
    mask = jax.random.randint(k2, (B, K), 0, 2, dtype=jnp.int32)
    ind = jax.random.randint(k3, (B, K), 0, H * W, dtype=jnp.int32)
    # depth targets: strictly positive (divided by in the loss)
    target = jax.random.uniform(k4, (B, K, 1), minval=1.0, maxval=20.0, dtype=jnp.float32)
    return {"output": output, "mask": mask, "ind": ind, "target": target}


def reference(output, mask, ind, target):
    B, C, H, W = output.shape
    K = ind.shape[1]
    # _transpose_and_gather_feat: [B,C,H,W] -> [B,H*W,C] -> gather rows by ind -> [B,K,C]
    feat = jnp.transpose(output, (0, 2, 3, 1)).reshape(B, H * W, C)
    idx = jnp.broadcast_to(ind[:, :, None].astype(jnp.int32), (B, K, C))
    pred = jnp.take_along_axis(feat, idx, axis=1)
    mask_f = jnp.broadcast_to(mask[:, :, None], (B, K, 1)).astype(jnp.float32)
    residual = -jnp.abs(pred[:, :, 0:1] - target) / target
    confidence = 1.0 - jnp.exp(residual)
    loss_depth = jnp.mean(jnp.abs(pred[:, :, 0:1] * mask_f - target * mask_f))
    loss_confidence = jnp.mean(jnp.abs(pred[:, :, 1:2] * mask_f - confidence * mask_f))
    return loss_depth + loss_confidence

if __name__ == "__main__":
    import jax
    _d = setup_inputs()
    print(jax.jit(kernel)(*tuple(_d.values())))

</pallas_src>

<mosaic_0001>
#map = affine_map<(d0, d1) -> (0)>
module attributes {stable_mosaic.version = 14 : i64} {
  func.func @_confidence_loss_sc(%arg0: i32, %arg1: i32, %arg2: memref<524288xf32, #tpu.memory_space<hbm>>, %arg3: memref<2048xi32, #tpu.memory_space<hbm>>, %arg4: memref<2048xi32, #tpu.memory_space<hbm>>, %arg5: memref<2048xf32, #tpu.memory_space<hbm>>, %arg6: memref<16xf32, #tpu.memory_space<hbm>>, %arg7: memref<2x128xi32, #tpu.memory_space<vmem>>, %arg8: memref<128xf32, #tpu.memory_space<vmem>>, %arg9: memref<128xi32, #tpu.memory_space<vmem>>, %arg10: memref<128xi32, #tpu.memory_space<vmem>>, %arg11: memref<128xf32, #tpu.memory_space<vmem>>, %arg12: memref<128xf32, #tpu.memory_space<vmem>>, %arg13: memref<16xf32, #tpu.memory_space<vmem>>, %arg14: memref<256xf32, #tpu.memory_space<vmem>>, %arg15: memref<256xf32, #tpu.memory_space<vmem_shared>>, %arg16: memref<!tpu.dma_semaphore, #tpu.memory_space<semaphore_mem>>, %arg17: memref<!tpu.dma_semaphore, #tpu.memory_space<semaphore_mem>>, %arg18: memref<!tpu.dma_semaphore, #tpu.memory_space<semaphore_mem>>) attributes {dimension_semantics = [#tpu.dimension_semantics<core_parallel>, #tpu.dimension_semantics<subcore_parallel>], iteration_bounds = array<i64: 1, 16>, scalar_prefetch = 0 : i64, scratch_operands = 12 : i64, tpu.core_type = #tpu.core_type<sc_vector_subcore>, window_params = [{transform_indices = #map}, {transform_indices = #map}, {transform_indices = #map}, {transform_indices = #map}, {transform_indices = #map}]} {
    %mul3A = arith.constant 128 : i32
    %mul3A_0 = arith.muli %arg1, %mul3A : i32
    %dma_start3A = arith.constant 0 : i32
    %dma_start3A_1 = arith.constant 0 : i32
    %dma_start3A_2 = tpu.memref_slice %arg7[%dma_start3A, %dma_start3A_1] : memref<2x128xi32, #tpu.memory_space<vmem>> -> memref<1x128xi32, #tpu.memory_space<vmem>>
    %dma_start3A_3 = tpu.memref_squeeze %dma_start3A_2 : memref<1x128xi32, #tpu.memory_space<vmem>> -> memref<128xi32, #tpu.memory_space<vmem>>
    %dma_start3A_4 = tpu.memref_slice %arg3[%mul3A_0] : memref<2048xi32, #tpu.memory_space<hbm>> -> memref<128xi32, #tpu.memory_space<hbm>>
    %dma_start3A_5 = arith.constant 0 : i32
    %dma_start3A_6 = tpu.memref_slice %arg7[%dma_start3A, %dma_start3A_5] : memref<2x128xi32, #tpu.memory_space<vmem>> -> memref<1x128xi32, #tpu.memory_space<vmem>>
    %dma_start3A_7 = tpu.memref_squeeze %dma_start3A_6 : memref<1x128xi32, #tpu.memory_space<vmem>> -> memref<128xi32, #tpu.memory_space<vmem>>
    %dma_start3A_8 = tpu.memref_slice %arg3[%mul3A_0] : memref<2048xi32, #tpu.memory_space<hbm>> -> memref<128xi32, #tpu.memory_space<hbm>>
    tpu.enqueue_dma source(%dma_start3A_8 : memref<128xi32, #tpu.memory_space<hbm>>) target(%dma_start3A_7 : memref<128xi32, #tpu.memory_space<vmem>>) target_semaphore(%arg16 : memref<!tpu.dma_semaphore, #tpu.memory_space<semaphore_mem>>)
    %dma_start3A_9 = arith.constant 1 : i32
    %dma_start3A_10 = arith.constant 0 : i32
    %dma_start3A_11 = tpu.memref_slice %arg7[%dma_start3A_9, %dma_start3A_10] : memref<2x128xi32, #tpu.memory_space<vmem>> -> memref<1x128xi32, #tpu.memory_space<vmem>>
    %dma_start3A_12 = tpu.memref_squeeze %dma_start3A_11 : memref<1x128xi32, #tpu.memory_space<vmem>> -> memref<128xi32, #tpu.memory_space<vmem>>
    %dma_start3A_13 = tpu.memref_slice %arg4[%mul3A_0] : memref<2048xi32, #tpu.memory_space<hbm>> -> memref<128xi32, #tpu.memory_space<hbm>>
    %dma_start3A_14 = arith.constant 0 : i32
    %dma_start3A_15 = tpu.memref_slice %arg7[%dma_start3A_9, %dma_start3A_14] : memref<2x128xi32, #tpu.memory_space<vmem>> -> memref<1x128xi32, #tpu.memory_space<vmem>>
    %dma_start3A_16 = tpu.memref_squeeze %dma_start3A_15 : memref<1x128xi32, #tpu.memory_space<vmem>> -> memref<128xi32, #tpu.memory_space<vmem>>
    %dma_start3A_17 = tpu.memref_slice %arg4[%mul3A_0] : memref<2048xi32, #tpu.memory_space<hbm>> -> memref<128xi32, #tpu.memory_space<hbm>>
    tpu.enqueue_dma source(%dma_start3A_17 : memref<128xi32, #tpu.memory_space<hbm>>) target(%dma_start3A_16 : memref<128xi32, #tpu.memory_space<vmem>>) target_semaphore(%arg17 : memref<!tpu.dma_semaphore, #tpu.memory_space<semaphore_mem>>)
    %dma_start3A_18 = tpu.memref_slice %arg5[%mul3A_0] : memref<2048xf32, #tpu.memory_space<hbm>> -> memref<128xf32, #tpu.memory_space<hbm>>
    %dma_start3A_19 = tpu.memref_slice %arg5[%mul3A_0] : memref<2048xf32, #tpu.memory_space<hbm>> -> memref<128xf32, #tpu.memory_space<hbm>>
    tpu.enqueue_dma source(%dma_start3A_19 : memref<128xf32, #tpu.memory_space<hbm>>) target(%arg8 : memref<128xf32, #tpu.memory_space<vmem>>) target_semaphore(%arg18 : memref<!tpu.dma_semaphore, #tpu.memory_space<semaphore_mem>>)
    %dma_wait3A = arith.constant 0 : i32
    %dma_wait3A_20 = arith.constant 0 : i32
    %dma_wait3A_21 = tpu.memref_slice %arg7[%dma_wait3A, %dma_wait3A_20] : memref<2x128xi32, #tpu.memory_space<vmem>> -> memref<1x128xi32, #tpu.memory_space<vmem>>
    %dma_wait3A_22 = tpu.memref_squeeze %dma_wait3A_21 : memref<1x128xi32, #tpu.memory_space<vmem>> -> memref<128xi32, #tpu.memory_space<vmem>>
    %dma_wait3A_23 = tpu.memref_slice %arg3[%mul3A_0] : memref<2048xi32, #tpu.memory_space<hbm>> -> memref<128xi32, #tpu.memory_space<hbm>>
    %dma_wait3A_24 = arith.constant 0 : i32
    %dma_wait3A_25 = tpu.memref_slice %arg7[%dma_wait3A, %dma_wait3A_24] : memref<2x128xi32, #tpu.memory_space<vmem>> -> memref<1x128xi32, #tpu.memory_space<vmem>>
    %dma_wait3A_26 = tpu.memref_squeeze %dma_wait3A_25 : memref<1x128xi32, #tpu.memory_space<vmem>> -> memref<128xi32, #tpu.memory_space<vmem>>
    %dma_wait3A_27 = tpu.memref_slice %arg3[%mul3A_0] : memref<2048xi32, #tpu.memory_space<hbm>> -> memref<128xi32, #tpu.memory_space<hbm>>
    tpu.wait_dma2 semaphore(%arg16 : memref<!tpu.dma_semaphore, #tpu.memory_space<semaphore_mem>>) src(%dma_wait3A_27 : memref<128xi32, #tpu.memory_space<hbm>>) dst(%dma_wait3A_26 : memref<128xi32, #tpu.memory_space<vmem>>)
    %mul3A_28 = arith.constant 32768 : i32
    %mul3A_29 = arith.muli %arg1, %mul3A_28 : i32
    %get3A = arith.constant 0 : i32
    %get3A_30 = arith.index_cast %get3A : i32 to index
    %get3A_31 = arith.constant 0 : index
    %get3A_32 = tpu.vector_load %arg7[%get3A_30, %get3A_31] {strides = array<i32>} : memref<2x128xi32, #tpu.memory_space<vmem>>, vector<1x16xi32>,
    %get3A_33 = vector.shape_cast %get3A_32 : vector<1x16xi32> to vector<16xi32>
    %add3A = vector.broadcast %mul3A_29 : i32 to vector<16xi32>
    %add3A_34 = arith.addi %get3A_33, %add3A : vector<16xi32>
    %swap3A = arith.constant 0 : index
    %swap3A_35 = tpu.vector_load %arg9[%swap3A] {strides = array<i32>} : memref<128xi32, #tpu.memory_space<vmem>>, vector<16xi32>,
    %swap3A_36 = vector.shape_cast %swap3A_35 : vector<16xi32> to vector<16xi32>
    %swap3A_37 = vector.shape_cast %add3A_34 : vector<16xi32> to vector<16xi32>
    tpu.vector_store %arg9[%swap3A], %swap3A_37 {strides = array<i32>} : memref<128xi32, #tpu.memory_space<vmem>>, vector<16xi32>,
    %add3A_38 = arith.constant 16384 : i32
    %add3A_39 = arith.addi %mul3A_29, %add3A_38 : i32
    %add3A_40 = vector.broadcast %add3A_39 : i32 to vector<16xi32>
    %add3A_41 = arith.addi %get3A_33, %add3A_40 : vector<16xi32>
    %swap3A_42 = arith.constant 0 : index
    %swap3A_43 = tpu.vector_load %arg10[%swap3A_42] {strides = array<i32>} : memref<128xi32, #tpu.memory_space<vmem>>, vector<16xi32>,
    %swap3A_44 = vector.shape_cast %swap3A_43 : vector<16xi32> to vector<16xi32>
    %swap3A_45 = vector.shape_cast %add3A_41 : vector<16xi32> to vector<16xi32>
    tpu.vector_store %arg10[%swap3A_42], %swap3A_45 {strides = array<i32>} : memref<128xi32, #tpu.memory_space<vmem>>, vector<16xi32>,
    %get3A_46 = arith.constant 0 : i32
    %get3A_47 = arith.index_cast %get3A_46 : i32 to index
    %get3A_48 = arith.constant 16 : index
    %get3A_49 = tpu.vector_load %arg7[%get3A_47, %get3A_48] {strides = array<i32>} : memref<2x128xi32, #tpu.memory_space<vmem>>, vector<1x16xi32>,
    %get3A_50 = vector.shape_cast %get3A_49 : vector<1x16xi32> to vector<16xi32>
    %add3A_51 = vector.broadcast %mul3A_29 : i32 to vector<16xi32>
    %add3A_52 = arith.addi %get3A_50, %add3A_51 : vector<16xi32>
    %swap3A_53 = arith.constant 16 : index
    %swap3A_54 = tpu.vector_load %arg9[%swap3A_53] {strides = array<i32>} : memref<128xi32, #tpu.memory_space<vmem>>, vector<16xi32>,
    %swap3A_55 = vector.shape_cast %swap3A_54 : vector<16xi32> to vector<16xi32>
    %swap3A_56 = vector.shape_cast %add3A_52 : vector<16xi32> to vector<16xi32>
    tpu.vector_store %arg9[%swap3A_53], %swap3A_56 {strides = array<i32>} : memref<128xi32, #tpu.memory_space<vmem>>, vector<16xi32>,
    %add3A_57 = arith.constant 16384 : i32
    %add3A_58 = arith.addi %mul3A_29, %add3A_57 : i32
    %add3A_59 = vector.broadcast %add3A_58 : i32 to vector<16xi32>
    %add3A_60 = arith.addi %get3A_50, %add3A_59 : vector<16xi32>
    %swap3A_61 = arith.constant 16 : index
    %swap3A_62 = tpu.vector_load %arg10[%swap3A_61] {strides = array<i32>} : memref<128xi32, #tpu.memory_space<vmem>>, vector<16xi32>,
    %swap3A_63 = vector.shape_cast %swap3A_62 : vector<16xi32> to vector<16xi32>
    %swap3A_64 = vector.shape_cast %add3A_60 : vector<16xi32> to vector<16xi32>
    tpu.vector_store %arg10[%swap3A_61], %swap3A_64 {strides = array<i32>} : memref<128xi32, #tpu.memory_space<vmem>>, vector<16xi32>,
    %get3A_65 = arith.constant 0 : i32
    %get3A_66 = arith.index_cast %get3A_65 : i32 to index
    %get3A_67 = arith.constant 32 : index
    %get3A_68 = tpu.vector_load %arg7[%get3A_66, %get3A_67] {strides = array<i32>} : memref<2x128xi32, #tpu.memory_space<vmem>>, vector<1x16xi32>,
    %get3A_69 = vector.shape_cast %get3A_68 : vector<1x16xi32> to vector<16xi32>
    %add3A_70 = vector.broadcast %mul3A_29 : i32 to vector<16xi32>
    %add3A_71 = arith.addi %get3A_69, %add3A_70 : vector<16xi32>
    %swap3A_72 = arith.constant 32 : index
    %swap3A_73 = tpu.vector_load %arg9[%swap3A_72] {strides = array<i32>} : memref<128xi32, #tpu.memory_space<vmem>>, vector<16xi32>,
    %swap3A_74 = vector.shape_cast %swap3A_73 : vector<16xi32> to vector<16xi32>
    %swap3A_75 = vector.shape_cast %add3A_71 : vector<16xi32> to vector<16xi32>
    tpu.vector_store %arg9[%swap3A_72], %swap3A_75 {strides = array<i32>} : memref<128xi32, #tpu.memory_space<vmem>>, vector<16xi32>,
    %add3A_76 = arith.constant 16384 : i32
    %add3A_77 = arith.addi %mul3A_29, %add3A_76 : i32
    %add3A_78 = vector.broadcast %add3A_77 : i32 to vector<16xi32>
    %add3A_79 = arith.addi %get3A_69, %add3A_78 : vector<16xi32>
    %swap3A_80 = arith.constant 32 : index
    %swap3A_81 = tpu.vector_load %arg10[%swap3A_80] {strides = array<i32>} : memref<128xi32, #tpu.memory_space<vmem>>, vector<16xi32>,
    %swap3A_82 = vector.shape_cast %swap3A_81 : vector<16xi32> to vector<16xi32>
    %swap3A_83 = vector.shape_cast %add3A_79 : vector<16xi32> to vector<16xi32>
    tpu.vector_store %arg10[%swap3A_80], %swap3A_83 {strides = array<i32>} : memref<128xi32, #tpu.memory_space<vmem>>, vector<16xi32>,
    %get3A_84 = arith.constant 0 : i32
    %get3A_85 = arith.index_cast %get3A_84 : i32 to index
    %get3A_86 = arith.constant 48 : index
    %get3A_87 = tpu.vector_load %arg7[%get3A_85, %get3A_86] {strides = array<i32>} : memref<2x128xi32, #tpu.memory_space<vmem>>, vector<1x16xi32>,
    %get3A_88 = vector.shape_cast %get3A_87 : vector<1x16xi32> to vector<16xi32>
    %add3A_89 = vector.broadcast %mul3A_29 : i32 to vector<16xi32>
    %add3A_90 = arith.addi %get3A_88, %add3A_89 : vector<16xi32>
    %swap3A_91 = arith.constant 48 : index
    %swap3A_92 = tpu.vector_load %arg9[%swap3A_91] {strides = array<i32>} : memref<128xi32, #tpu.memory_space<vmem>>, vector<16xi32>,
    %swap3A_93 = vector.shape_cast %swap3A_92 : vector<16xi32> to vector<16xi32>
    %swap3A_94 = vector.shape_cast %add3A_90 : vector<16xi32> to vector<16xi32>
    tpu.vector_store %arg9[%swap3A_91], %swap3A_94 {strides = array<i32>} : memref<128xi32, #tpu.memory_space<vmem>>, vector<16xi32>,
    %add3A_95 = arith.constant 16384 : i32
    %add3A_96 = arith.addi %mul3A_29, %add3A_95 : i32
    %add3A_97 = vector.broadcast %add3A_96 : i32 to vector<16xi32>
    %add3A_98 = arith.addi %get3A_88, %add3A_97 : vector<16xi32>
    %swap3A_99 = arith.constant 48 : index
    %swap3A_100 = tpu.vector_load %arg10[%swap3A_99] {strides = array<i32>} : memref<128xi32, #tpu.memory_space<vmem>>, vector<16xi32>,
    %swap3A_101 = vector.shape_cast %swap3A_100 : vector<16xi32> to vector<16xi32>
    %swap3A_102 = vector.shape_cast %add3A_98 : vector<16xi32> to vector<16xi32>
    tpu.vector_store %arg10[%swap3A_99], %swap3A_102 {strides = array<i32>} : memref<128xi32, #tpu.memory_space<vmem>>, vector<16xi32>,
    %get3A_103 = arith.constant 0 : i32
    %get3A_104 = arith.index_cast %get3A_103 : i32 to index
    %get3A_105 = arith.constant 64 : index
    %get3A_106 = tpu.vector_load %arg7[%get3A_104, %get3A_105] {strides = array<i32>} : memref<2x128xi32, #tpu.memory_space<vmem>>, vector<1x16xi32>,
    %get3A_107 = vector.shape_cast %get3A_106 : vector<1x16xi32> to vector<16xi32>
    %add3A_108 = vector.broadcast %mul3A_29 : i32 to vector<16xi32>
    %add3A_109 = arith.addi %get3A_107, %add3A_108 : vector<16xi32>
    %swap3A_110 = arith.constant 64 : index
    %swap3A_111 = tpu.vector_load %arg9[%swap3A_110] {strides = array<i32>} : memref<128xi32, #tpu.memory_space<vmem>>, vector<16xi32>,
    %swap3A_112 = vector.shape_cast %swap3A_111 : vector<16xi32> to vector<16xi32>
    %swap3A_113 = vector.shape_cast %add3A_109 : vector<16xi32> to vector<16xi32>
    tpu.vector_store %arg9[%swap3A_110], %swap3A_113 {strides = array<i32>} : memref<128xi32, #tpu.memory_space<vmem>>, vector<16xi32>,
    %add3A_114 = arith.constant 16384 : i32
    %add3A_115 = arith.addi %mul3A_29, %add3A_114 : i32
    %add3A_116 = vector.broadcast %add3A_115 : i32 to vector<16xi32>
    %add3A_117 = arith.addi %get3A_107, %add3A_116 : vector<16xi32>
    %swap3A_118 = arith.constant 64 : index
    %swap3A_119 = tpu.vector_load %arg10[%swap3A_118] {strides = array<i32>} : memref<128xi32, #tpu.memory_space<vmem>>, vector<16xi32>,
    %swap3A_120 = vector.shape_cast %swap3A_119 : vector<16xi32> to vector<16xi32>
    %swap3A_121 = vector.shape_cast %add3A_117 : vector<16xi32> to vector<16xi32>
    tpu.vector_store %arg10[%swap3A_118], %swap3A_121 {strides = array<i32>} : memref<128xi32, #tpu.memory_space<vmem>>, vector<16xi32>,
    %get3A_122 = arith.constant 0 : i32
    %get3A_123 = arith.index_cast %get3A_122 : i32 to index
    %get3A_124 = arith.constant 80 : index
    %get3A_125 = tpu.vector_load %arg7[%get3A_123, %get3A_124] {strides = array<i32>} : memref<2x128xi32, #tpu.memory_space<vmem>>, vector<1x16xi32>,
    %get3A_126 = vector.shape_cast %get3A_125 : vector<1x16xi32> to vector<16xi32>
    %add3A_127 = vector.broadcast %mul3A_29 : i32 to vector<16xi32>
    %add3A_128 = arith.addi %get3A_126, %add3A_127 : vector<16xi32>
    %swap3A_129 = arith.constant 80 : index
    %swap3A_130 = tpu.vector_load %arg9[%swap3A_129] {strides = array<i32>} : memref<128xi32, #tpu.memory_space<vmem>>, vector<16xi32>,
    %swap3A_131 = vector.shape_cast %swap3A_130 : vector<16xi32> to vector<16xi32>
    %swap3A_132 = vector.shape_cast %add3A_128 : vector<16xi32> to vector<16xi32>
    tpu.vector_store %arg9[%swap3A_129], %swap3A_132 {strides = array<i32>} : memref<128xi32, #tpu.memory_space<vmem>>, vector<16xi32>,
    %add3A_133 = arith.constant 16384 : i32
    %add3A_134 = arith.addi %mul3A_29, %add3A_133 : i32
    %add3A_135 = vector.broadcast %add3A_134 : i32 to vector<16xi32>
    %add3A_136 = arith.addi %get3A_126, %add3A_135 : vector<16xi32>
    %swap3A_137 = arith.constant 80 : index
    %swap3A_138 = tpu.vector_load %arg10[%swap3A_137] {strides = array<i32>} : memref<128xi32, #tpu.memory_space<vmem>>, vector<16xi32>,
    %swap3A_139 = vector.shape_cast %swap3A_138 : vector<16xi32> to vector<16xi32>
    %swap3A_140 = vector.shape_cast %add3A_136 : vector<16xi32> to vector<16xi32>
    tpu.vector_store %arg10[%swap3A_137], %swap3A_140 {strides = array<i32>} : memref<128xi32, #tpu.memory_space<vmem>>, vector<16xi32>,
    %get3A_141 = arith.constant 0 : i32
    %get3A_142 = arith.index_cast %get3A_141 : i32 to index
    %get3A_143 = arith.constant 96 : index
    %get3A_144 = tpu.vector_load %arg7[%get3A_142, %get3A_143] {strides = array<i32>} : memref<2x128xi32, #tpu.memory_space<vmem>>, vector<1x16xi32>,
    %get3A_145 = vector.shape_cast %get3A_144 : vector<1x16xi32> to vector<16xi32>
    %add3A_146 = vector.broadcast %mul3A_29 : i32 to vector<16xi32>
    %add3A_147 = arith.addi %get3A_145, %add3A_146 : vector<16xi32>
    %swap3A_148 = arith.constant 96 : index
    %swap3A_149 = tpu.vector_load %arg9[%swap3A_148] {strides = array<i32>} : memref<128xi32, #tpu.memory_space<vmem>>, vector<16xi32>,
    %swap3A_150 = vector.shape_cast %swap3A_149 : vector<16xi32> to vector<16xi32>
    %swap3A_151 = vector.shape_cast %add3A_147 : vector<16xi32> to vector<16xi32>
    tpu.vector_store %arg9[%swap3A_148], %swap3A_151 {strides = array<i32>} : memref<128xi32, #tpu.memory_space<vmem>>, vector<16xi32>,
    %add3A_152 = arith.constant 16384 : i32
    %add3A_153 = arith.addi %mul3A_29, %add3A_152 : i32
    %add3A_154 = vector.broadcast %add3A_153 : i32 to vector<16xi32>
    %add3A_155 = arith.addi %get3A_145, %add3A_154 : vector<16xi32>
    %swap3A_156 = arith.constant 96 : index
    %swap3A_157 = tpu.vector_load %arg10[%swap3A_156] {strides = array<i32>} : memref<128xi32, #tpu.memory_space<vmem>>, vector<16xi32>,
    %swap3A_158 = vector.shape_cast %swap3A_157 : vector<16xi32> to vector<16xi32>
    %swap3A_159 = vector.shape_cast %add3A_155 : vector<16xi32> to vector<16xi32>
    tpu.vector_store %arg10[%swap3A_156], %swap3A_159 {strides = array<i32>} : memref<128xi32, #tpu.memory_space<vmem>>, vector<16xi32>,
    %get3A_160 = arith.constant 0 : i32
    %get3A_161 = arith.index_cast %get3A_160 : i32 to index
    %get3A_162 = arith.constant 112 : index
    %get3A_163 = tpu.vector_load %arg7[%get3A_161, %get3A_162] {strides = array<i32>} : memref<2x128xi32, #tpu.memory_space<vmem>>, vector<1x16xi32>,
    %get3A_164 = vector.shape_cast %get3A_163 : vector<1x16xi32> to vector<16xi32>
    %add3A_165 = vector.broadcast %mul3A_29 : i32 to vector<16xi32>
    %add3A_166 = arith.addi %get3A_164, %add3A_165 : vector<16xi32>
    %swap3A_167 = arith.constant 112 : index
    %swap3A_168 = tpu.vector_load %arg9[%swap3A_167] {strides = array<i32>} : memref<128xi32, #tpu.memory_space<vmem>>, vector<16xi32>,
    %swap3A_169 = vector.shape_cast %swap3A_168 : vector<16xi32> to vector<16xi32>
    %swap3A_170 = vector.shape_cast %add3A_166 : vector<16xi32> to vector<16xi32>
    tpu.vector_store %arg9[%swap3A_167], %swap3A_170 {strides = array<i32>} : memref<128xi32, #tpu.memory_space<vmem>>, vector<16xi32>,
    %add3A_171 = arith.constant 16384 : i32
    %add3A_172 = arith.addi %mul3A_29, %add3A_171 : i32
    %add3A_173 = vector.broadcast %add3A_172 : i32 to vector<16xi32>
    %add3A_174 = arith.addi %get3A_164, %add3A_173 : vector<16xi32>
    %swap3A_175 = arith.constant 112 : index
    %swap3A_176 = tpu.vector_load %arg10[%swap3A_175] {strides = array<i32>} : memref<128xi32, #tpu.memory_space<vmem>>, vector<16xi32>,
    %swap3A_177 = vector.shape_cast %swap3A_176 : vector<16xi32> to vector<16xi32>
    %swap3A_178 = vector.shape_cast %add3A_174 : vector<16xi32> to vector<16xi32>
    tpu.vector_store %arg10[%swap3A_175], %swap3A_178 {strides = array<i32>} : memref<128xi32, #tpu.memory_space<vmem>>, vector<16xi32>,
    %dma_start3A_179 = arith.constant 0 : i32
    %dma_start3A_180 = tpu.memref_slice %arg2[%dma_start3A_179] : memref<524288xf32, #tpu.memory_space<hbm>> -> memref<524288xf32, #tpu.memory_space<hbm>>
    tpu.enqueue_indirect_dma source(%dma_start3A_180 : memref<524288xf32, #tpu.memory_space<hbm>>) target(%arg11 : memref<128xf32, #tpu.memory_space<vmem>>) offsets(%arg9 : memref<128xi32, #tpu.memory_space<vmem>>) semaphore(%arg16 : memref<!tpu.dma_semaphore, #tpu.memory_space<semaphore_mem>>)
    %dma_start3A_181 = arith.constant 0 : i32
    %dma_start3A_182 = tpu.memref_slice %arg2[%dma_start3A_181] : memref<524288xf32, #tpu.memory_space<hbm>> -> memref<524288xf32, #tpu.memory_space<hbm>>
    tpu.enqueue_indirect_dma source(%dma_start3A_182 : memref<524288xf32, #tpu.memory_space<hbm>>) target(%arg12 : memref<128xf32, #tpu.memory_space<vmem>>) offsets(%arg10 : memref<128xi32, #tpu.memory_space<vmem>>) semaphore(%arg17 : memref<!tpu.dma_semaphore, #tpu.memory_space<semaphore_mem>>)
    %dma_wait3A_183 = arith.constant 1 : i32
    %dma_wait3A_184 = arith.constant 0 : i32
    %dma_wait3A_185 = tpu.memref_slice %arg7[%dma_wait3A_183, %dma_wait3A_184] : memref<2x128xi32, #tpu.memory_space<vmem>> -> memref<1x128xi32, #tpu.memory_space<vmem>>
    %dma_wait3A_186 = tpu.memref_squeeze %dma_wait3A_185 : memref<1x128xi32, #tpu.memory_space<vmem>> -> memref<128xi32, #tpu.memory_space<vmem>>
    %dma_wait3A_187 = tpu.memref_slice %arg4[%mul3A_0] : memref<2048xi32, #tpu.memory_space<hbm>> -> memref<128xi32, #tpu.memory_space<hbm>>
    %dma_wait3A_188 = arith.constant 0 : i32
    %dma_wait3A_189 = tpu.memref_slice %arg7[%dma_wait3A_183, %dma_wait3A_188] : memref<2x128xi32, #tpu.memory_space<vmem>> -> memref<1x128xi32, #tpu.memory_space<vmem>>
    %dma_wait3A_190 = tpu.memref_squeeze %dma_wait3A_189 : memref<1x128xi32, #tpu.memory_space<vmem>> -> memref<128xi32, #tpu.memory_space<vmem>>
    %dma_wait3A_191 = tpu.memref_slice %arg4[%mul3A_0] : memref<2048xi32, #tpu.memory_space<hbm>> -> memref<128xi32, #tpu.memory_space<hbm>>
    tpu.wait_dma2 semaphore(%arg17 : memref<!tpu.dma_semaphore, #tpu.memory_space<semaphore_mem>>) src(%dma_wait3A_191 : memref<128xi32, #tpu.memory_space<hbm>>) dst(%dma_wait3A_190 : memref<128xi32, #tpu.memory_space<vmem>>)
    %dma_wait3A_192 = tpu.memref_slice %arg5[%mul3A_0] : memref<2048xf32, #tpu.memory_space<hbm>> -> memref<128xf32, #tpu.memory_space<hbm>>
    %dma_wait3A_193 = tpu.memref_slice %arg5[%mul3A_0] : memref<2048xf32, #tpu.memory_space<hbm>> -> memref<128xf32, #tpu.memory_space<hbm>>
    tpu.wait_dma2 semaphore(%arg18 : memref<!tpu.dma_semaphore, #tpu.memory_space<semaphore_mem>>) src(%dma_wait3A_193 : memref<128xf32, #tpu.memory_space<hbm>>) dst(%arg8 : memref<128xf32, #tpu.memory_space<vmem>>)
    %dma_wait3A_194 = arith.constant 0 : i32
    %dma_wait3A_195 = tpu.memref_slice %arg2[%dma_wait3A_194] : memref<524288xf32, #tpu.memory_space<hbm>> -> memref<524288xf32, #tpu.memory_space<hbm>>
    tpu.wait_indirect_dma semaphore(%arg16 : memref<!tpu.dma_semaphore, #tpu.memory_space<semaphore_mem>>) src(%dma_wait3A_195 : memref<524288xf32, #tpu.memory_space<hbm>>) dst(%arg11 : memref<128xf32, #tpu.memory_space<vmem>>)
    %dma_wait3A_196 = arith.constant 0 : i32
    %dma_wait3A_197 = tpu.memref_slice %arg2[%dma_wait3A_196] : memref<524288xf32, #tpu.memory_space<hbm>> -> memref<524288xf32, #tpu.memory_space<hbm>>
    tpu.wait_indirect_dma semaphore(%arg17 : memref<!tpu.dma_semaphore, #tpu.memory_space<semaphore_mem>>) src(%dma_wait3A_197 : memref<524288xf32, #tpu.memory_space<hbm>>) dst(%arg12 : memref<128xf32, #tpu.memory_space<vmem>>)
    %broadcast_in_dim3A = arith.constant 0.000000e+00 : f32
    %broadcast_in_dim3A_198 = vector.broadcast %broadcast_in_dim3A : f32 to vector<16xf32>
    %get3A_199 = arith.constant 0 : index
    %get3A_200 = tpu.vector_load %arg11[%get3A_199] {strides = array<i32>} : memref<128xf32, #tpu.memory_space<vmem>>, vector<16xf32>,
    %get3A_201 = vector.shape_cast %get3A_200 : vector<16xf32> to vector<16xf32>
    %get3A_202 = arith.constant 0 : index
    %get3A_203 = tpu.vector_load %arg12[%get3A_202] {strides = array<i32>} : memref<128xf32, #tpu.memory_space<vmem>>, vector<16xf32>,
    %get3A_204 = vector.shape_cast %get3A_203 : vector<16xf32> to vector<16xf32>
    %get3A_205 = arith.constant 1 : i32
    %get3A_206 = arith.index_cast %get3A_205 : i32 to index
    %get3A_207 = arith.constant 0 : index
    %get3A_208 = tpu.vector_load %arg7[%get3A_206, %get3A_207] {strides = array<i32>} : memref<2x128xi32, #tpu.memory_space<vmem>>, vector<1x16xi32>,
    %get3A_209 = vector.shape_cast %get3A_208 : vector<1x16xi32> to vector<16xi32>
    %convert_element_type3A = arith.sitofp %get3A_209 : vector<16xi32> to vector<16xf32>
    %get3A_210 = arith.constant 0 : index
    %get3A_211 = tpu.vector_load %arg8[%get3A_210] {strides = array<i32>} : memref<128xf32, #tpu.memory_space<vmem>>, vector<16xf32>,
    %get3A_212 = vector.shape_cast %get3A_211 : vector<16xf32> to vector<16xf32>
    %sub3A = arith.subf %get3A_201, %get3A_212 : vector<16xf32>
    %abs3A = math.absf %sub3A : vector<16xf32>
    %neg3A = arith.constant 0.000000e+00 : f32
    %neg3A_213 = vector.broadcast %neg3A : f32 to vector<16xf32>
    %neg3A_214 = arith.subf %neg3A_213, %abs3A : vector<16xf32>
    %div3A = arith.divf %neg3A_214, %get3A_212 : vector<16xf32>
    %exp3A = math.exp %div3A : vector<16xf32>
    %sub3A_215 = arith.constant 1.000000e+00 : f32
    %sub3A_216 = vector.broadcast %sub3A_215 : f32 to vector<16xf32>
    %sub3A_217 = arith.subf %sub3A_216, %exp3A : vector<16xf32>
    %sub3A_218 = arith.subf %get3A_204, %sub3A_217 : vector<16xf32>
    %abs3A_219 = math.absf %sub3A_218 : vector<16xf32>
    %add3A_220 = arith.addf %abs3A, %abs3A_219 : vector<16xf32>
    %mul3A_221 = arith.mulf %convert_element_type3A, %add3A_220 : vector<16xf32>
    %add3A_222 = arith.addf %broadcast_in_dim3A_198, %mul3A_221 : vector<16xf32>
    %get3A_223 = arith.constant 16 : index
    %get3A_224 = tpu.vector_load %arg11[%get3A_223] {strides = array<i32>} : memref<128xf32, #tpu.memory_space<vmem>>, vector<16xf32>,
    %get3A_225 = vector.shape_cast %get3A_224 : vector<16xf32> to vector<16xf32>
    %get3A_226 = arith.constant 16 : index
    %get3A_227 = tpu.vector_load %arg12[%get3A_226] {strides = array<i32>} : memref<128xf32, #tpu.memory_space<vmem>>, vector<16xf32>,
    %get3A_228 = vector.shape_cast %get3A_227 : vector<16xf32> to vector<16xf32>
    %get3A_229 = arith.constant 1 : i32
    %get3A_230 = arith.index_cast %get3A_229 : i32 to index
    %get3A_231 = arith.constant 16 : index
    %get3A_232 = tpu.vector_load %arg7[%get3A_230, %get3A_231] {strides = array<i32>} : memref<2x128xi32, #tpu.memory_space<vmem>>, vector<1x16xi32>,
    %get3A_233 = vector.shape_cast %get3A_232 : vector<1x16xi32> to vector<16xi32>
    %convert_element_type3A_234 = arith.sitofp %get3A_233 : vector<16xi32> to vector<16xf32>
    %get3A_235 = arith.constant 16 : index
    %get3A_236 = tpu.vector_load %arg8[%get3A_235] {strides = array<i32>} : memref<128xf32, #tpu.memory_space<vmem>>, vector<16xf32>,
    %get3A_237 = vector.shape_cast %get3A_236 : vector<16xf32> to vector<16xf32>
    %sub3A_238 = arith.subf %get3A_225, %get3A_237 : vector<16xf32>
    %abs3A_239 = math.absf %sub3A_238 : vector<16xf32>
    %neg3A_240 = arith.constant 0.000000e+00 : f32
    %neg3A_241 = vector.broadcast %neg3A_240 : f32 to vector<16xf32>
    %neg3A_242 = arith.subf %neg3A_241, %abs3A_239 : vector<16xf32>
    %div3A_243 = arith.divf %neg3A_242, %get3A_237 : vector<16xf32>
    %exp3A_244 = math.exp %div3A_243 : vector<16xf32>
    %sub3A_245 = arith.constant 1.000000e+00 : f32
    %sub3A_246 = vector.broadcast %sub3A_245 : f32 to vector<16xf32>
    %sub3A_247 = arith.subf %sub3A_246, %exp3A_244 : vector<16xf32>
    %sub3A_248 = arith.subf %get3A_228, %sub3A_247 : vector<16xf32>
    %abs3A_249 = math.absf %sub3A_248 : vector<16xf32>
    %add3A_250 = arith.addf %abs3A_239, %abs3A_249 : vector<16xf32>
    %mul3A_251 = arith.mulf %convert_element_type3A_234, %add3A_250 : vector<16xf32>
    %add3A_252 = arith.addf %add3A_222, %mul3A_251 : vector<16xf32>
    %get3A_253 = arith.constant 32 : index
    %get3A_254 = tpu.vector_load %arg11[%get3A_253] {strides = array<i32>} : memref<128xf32, #tpu.memory_space<vmem>>, vector<16xf32>,
    %get3A_255 = vector.shape_cast %get3A_254 : vector<16xf32> to vector<16xf32>
    %get3A_256 = arith.constant 32 : index
    %get3A_257 = tpu.vector_load %arg12[%get3A_256] {strides = array<i32>} : memref<128xf32, #tpu.memory_space<vmem>>, vector<16xf32>,
    %get3A_258 = vector.shape_cast %get3A_257 : vector<16xf32> to vector<16xf32>
    %get3A_259 = arith.constant 1 : i32
    %get3A_260 = arith.index_cast %get3A_259 : i32 to index
    %get3A_261 = arith.constant 32 : index
    %get3A_262 = tpu.vector_load %arg7[%get3A_260, %get3A_261] {strides = array<i32>} : memref<2x128xi32, #tpu.memory_space<vmem>>, vector<1x16xi32>,
    %get3A_263 = vector.shape_cast %get3A_262 : vector<1x16xi32> to vector<16xi32>
    %convert_element_type3A_264 = arith.sitofp %get3A_263 : vector<16xi32> to vector<16xf32>
    %get3A_265 = arith.constant 32 : index
    %get3A_266 = tpu.vector_load %arg8[%get3A_265] {strides = array<i32>} : memref<128xf32, #tpu.memory_space<vmem>>, vector<16xf32>,
    %get3A_267 = vector.shape_cast %get3A_266 : vector<16xf32> to vector<16xf32>
    %sub3A_268 = arith.subf %get3A_255, %get3A_267 : vector<16xf32>
    %abs3A_269 = math.absf %sub3A_268 : vector<16xf32>
    %neg3A_270 = arith.constant 0.000000e+00 : f32
    %neg3A_271 = vector.broadcast %neg3A_270 : f32 to vector<16xf32>
    %neg3A_272 = arith.subf %neg3A_271, %abs3A_269 : vector<16xf32>
    %div3A_273 = arith.divf %neg3A_272, %get3A_267 : vector<16xf32>
    %exp3A_274 = math.exp %div3A_273 : vector<16xf32>
    %sub3A_275 = arith.constant 1.000000e+00 : f32
    %sub3A_276 = vector.broadcast %sub3A_275 : f32 to vector<16xf32>
    %sub3A_277 = arith.subf %sub3A_276, %exp3A_274 : vector<16xf32>
    %sub3A_278 = arith.subf %get3A_258, %sub3A_277 : vector<16xf32>
    %abs3A_279 = math.absf %sub3A_278 : vector<16xf32>
    %add3A_280 = arith.addf %abs3A_269, %abs3A_279 : vector<16xf32>
    %mul3A_281 = arith.mulf %convert_element_type3A_264, %add3A_280 : vector<16xf32>
    %add3A_282 = arith.addf %add3A_252, %mul3A_281 : vector<16xf32>
    %get3A_283 = arith.constant 48 : index
    %get3A_284 = tpu.vector_load %arg11[%get3A_283] {strides = array<i32>} : memref<128xf32, #tpu.memory_space<vmem>>, vector<16xf32>,
    %get3A_285 = vector.shape_cast %get3A_284 : vector<16xf32> to vector<16xf32>
    %get3A_286 = arith.constant 48 : index
    %get3A_287 = tpu.vector_load %arg12[%get3A_286] {strides = array<i32>} : memref<128xf32, #tpu.memory_space<vmem>>, vector<16xf32>,
    %get3A_288 = vector.shape_cast %get3A_287 : vector<16xf32> to vector<16xf32>
    %get3A_289 = arith.constant 1 : i32
    %get3A_290 = arith.index_cast %get3A_289 : i32 to index
    %get3A_291 = arith.constant 48 : index
    %get3A_292 = tpu.vector_load %arg7[%get3A_290, %get3A_291] {strides = array<i32>} : memref<2x128xi32, #tpu.memory_space<vmem>>, vector<1x16xi32>,
    %get3A_293 = vector.shape_cast %get3A_292 : vector<1x16xi32> to vector<16xi32>
    %convert_element_type3A_294 = arith.sitofp %get3A_293 : vector<16xi32> to vector<16xf32>
    %get3A_295 = arith.constant 48 : index
    %get3A_296 = tpu.vector_load %arg8[%get3A_295] {strides = array<i32>} : memref<128xf32, #tpu.memory_space<vmem>>, vector<16xf32>,
    %get3A_297 = vector.shape_cast %get3A_296 : vector<16xf32> to vector<16xf32>
    %sub3A_298 = arith.subf %get3A_285, %get3A_297 : vector<16xf32>
    %abs3A_299 = math.absf %sub3A_298 : vector<16xf32>
    %neg3A_300 = arith.constant 0.000000e+00 : f32
    %neg3A_301 = vector.broadcast %neg3A_300 : f32 to vector<16xf32>
    %neg3A_302 = arith.subf %neg3A_301, %abs3A_299 : vector<16xf32>
    %div3A_303 = arith.divf %neg3A_302, %get3A_297 : vector<16xf32>
    %exp3A_304 = math.exp %div3A_303 : vector<16xf32>
    %sub3A_305 = arith.constant 1.000000e+00 : f32
    %sub3A_306 = vector.broadcast %sub3A_305 : f32 to vector<16xf32>
    %sub3A_307 = arith.subf %sub3A_306, %exp3A_304 : vector<16xf32>
    %sub3A_308 = arith.subf %get3A_288, %sub3A_307 : vector<16xf32>
    %abs3A_309 = math.absf %sub3A_308 : vector<16xf32>
    %add3A_310 = arith.addf %abs3A_299, %abs3A_309 : vector<16xf32>
    %mul3A_311 = arith.mulf %convert_element_type3A_294, %add3A_310 : vector<16xf32>
    %add3A_312 = arith.addf %add3A_282, %mul3A_311 : vector<16xf32>
    %get3A_313 = arith.constant 64 : index
    %get3A_314 = tpu.vector_load %arg11[%get3A_313] {strides = array<i32>} : memref<128xf32, #tpu.memory_space<vmem>>, vector<16xf32>,
    %get3A_315 = vector.shape_cast %get3A_314 : vector<16xf32> to vector<16xf32>
    %get3A_316 = arith.constant 64 : index
    %get3A_317 = tpu.vector_load %arg12[%get3A_316] {strides = array<i32>} : memref<128xf32, #tpu.memory_space<vmem>>, vector<16xf32>,
    %get3A_318 = vector.shape_cast %get3A_317 : vector<16xf32> to vector<16xf32>
    %get3A_319 = arith.constant 1 : i32
    %get3A_320 = arith.index_cast %get3A_319 : i32 to index
    %get3A_321 = arith.constant 64 : index
    %get3A_322 = tpu.vector_load %arg7[%get3A_320, %get3A_321] {strides = array<i32>} : memref<2x128xi32, #tpu.memory_space<vmem>>, vector<1x16xi32>,
    %get3A_323 = vector.shape_cast %get3A_322 : vector<1x16xi32> to vector<16xi32>
    %convert_element_type3A_324 = arith.sitofp %get3A_323 : vector<16xi32> to vector<16xf32>
    %get3A_325 = arith.constant 64 : index
    %get3A_326 = tpu.vector_load %arg8[%get3A_325] {strides = array<i32>} : memref<128xf32, #tpu.memory_space<vmem>>, vector<16xf32>,
    %get3A_327 = vector.shape_cast %get3A_326 : vector<16xf32> to vector<16xf32>
    %sub3A_328 = arith.subf %get3A_315, %get3A_327 : vector<16xf32>
    %abs3A_329 = math.absf %sub3A_328 : vector<16xf32>
    %neg3A_330 = arith.constant 0.000000e+00 : f32
    %neg3A_331 = vector.broadcast %neg3A_330 : f32 to vector<16xf32>
    %neg3A_332 = arith.subf %neg3A_331, %abs3A_329 : vector<16xf32>
    %div3A_333 = arith.divf %neg3A_332, %get3A_327 : vector<16xf32>
    %exp3A_334 = math.exp %div3A_333 : vector<16xf32>
    %sub3A_335 = arith.constant 1.000000e+00 : f32
    %sub3A_336 = vector.broadcast %sub3A_335 : f32 to vector<16xf32>
    %sub3A_337 = arith.subf %sub3A_336, %exp3A_334 : vector<16xf32>
    %sub3A_338 = arith.subf %get3A_318, %sub3A_337 : vector<16xf32>
    %abs3A_339 = math.absf %sub3A_338 : vector<16xf32>
    %add3A_340 = arith.addf %abs3A_329, %abs3A_339 : vector<16xf32>
    %mul3A_341 = arith.mulf %convert_element_type3A_324, %add3A_340 : vector<16xf32>
    %add3A_342 = arith.addf %add3A_312, %mul3A_341 : vector<16xf32>
    %get3A_343 = arith.constant 80 : index
    %get3A_344 = tpu.vector_load %arg11[%get3A_343] {strides = array<i32>} : memref<128xf32, #tpu.memory_space<vmem>>, vector<16xf32>,
    %get3A_345 = vector.shape_cast %get3A_344 : vector<16xf32> to vector<16xf32>
    %get3A_346 = arith.constant 80 : index
    %get3A_347 = tpu.vector_load %arg12[%get3A_346] {strides = array<i32>} : memref<128xf32, #tpu.memory_space<vmem>>, vector<16xf32>,
    %get3A_348 = vector.shape_cast %get3A_347 : vector<16xf32> to vector<16xf32>
    %get3A_349 = arith.constant 1 : i32
    %get3A_350 = arith.index_cast %get3A_349 : i32 to index
    %get3A_351 = arith.constant 80 : index
    %get3A_352 = tpu.vector_load %arg7[%get3A_350, %get3A_351] {strides = array<i32>} : memref<2x128xi32, #tpu.memory_space<vmem>>, vector<1x16xi32>,
    %get3A_353 = vector.shape_cast %get3A_352 : vector<1x16xi32> to vector<16xi32>
    %convert_element_type3A_354 = arith.sitofp %get3A_353 : vector<16xi32> to vector<16xf32>
    %get3A_355 = arith.constant 80 : index
    %get3A_356 = tpu.vector_load %arg8[%get3A_355] {strides = array<i32>} : memref<128xf32, #tpu.memory_space<vmem>>, vector<16xf32>,
    %get3A_357 = vector.shape_cast %get3A_356 : vector<16xf32> to vector<16xf32>
    %sub3A_358 = arith.subf %get3A_345, %get3A_357 : vector<16xf32>
    %abs3A_359 = math.absf %sub3A_358 : vector<16xf32>
    %neg3A_360 = arith.constant 0.000000e+00 : f32
    %neg3A_361 = vector.broadcast %neg3A_360 : f32 to vector<16xf32>
    %neg3A_362 = arith.subf %neg3A_361, %abs3A_359 : vector<16xf32>
    %div3A_363 = arith.divf %neg3A_362, %get3A_357 : vector<16xf32>
    %exp3A_364 = math.exp %div3A_363 : vector<16xf32>
    %sub3A_365 = arith.constant 1.000000e+00 : f32
    %sub3A_366 = vector.broadcast %sub3A_365 : f32 to vector<16xf32>
    %sub3A_367 = arith.subf %sub3A_366, %exp3A_364 : vector<16xf32>
    %sub3A_368 = arith.subf %get3A_348, %sub3A_367 : vector<16xf32>
    %abs3A_369 = math.absf %sub3A_368 : vector<16xf32>
    %add3A_370 = arith.addf %abs3A_359, %abs3A_369 : vector<16xf32>
    %mul3A_371 = arith.mulf %convert_element_type3A_354, %add3A_370 : vector<16xf32>
    %add3A_372 = arith.addf %add3A_342, %mul3A_371 : vector<16xf32>
    %get3A_373 = arith.constant 96 : index
    %get3A_374 = tpu.vector_load %arg11[%get3A_373] {strides = array<i32>} : memref<128xf32, #tpu.memory_space<vmem>>, vector<16xf32>,
    %get3A_375 = vector.shape_cast %get3A_374 : vector<16xf32> to vector<16xf32>
    %get3A_376 = arith.constant 96 : index
    %get3A_377 = tpu.vector_load %arg12[%get3A_376] {strides = array<i32>} : memref<128xf32, #tpu.memory_space<vmem>>, vector<16xf32>,
    %get3A_378 = vector.shape_cast %get3A_377 : vector<16xf32> to vector<16xf32>
    %get3A_379 = arith.constant 1 : i32
    %get3A_380 = arith.index_cast %get3A_379 : i32 to index
    %get3A_381 = arith.constant 96 : index
    %get3A_382 = tpu.vector_load %arg7[%get3A_380, %get3A_381] {strides = array<i32>} : memref<2x128xi32, #tpu.memory_space<vmem>>, vector<1x16xi32>,
    %get3A_383 = vector.shape_cast %get3A_382 : vector<1x16xi32> to vector<16xi32>
    %convert_element_type3A_384 = arith.sitofp %get3A_383 : vector<16xi32> to vector<16xf32>
    %get3A_385 = arith.constant 96 : index
    %get3A_386 = tpu.vector_load %arg8[%get3A_385] {strides = array<i32>} : memref<128xf32, #tpu.memory_space<vmem>>, vector<16xf32>,
    %get3A_387 = vector.shape_cast %get3A_386 : vector<16xf32> to vector<16xf32>
    %sub3A_388 = arith.subf %get3A_375, %get3A_387 : vector<16xf32>
    %abs3A_389 = math.absf %sub3A_388 : vector<16xf32>
    %neg3A_390 = arith.constant 0.000000e+00 : f32
    %neg3A_391 = vector.broadcast %neg3A_390 : f32 to vector<16xf32>
    %neg3A_392 = arith.subf %neg3A_391, %abs3A_389 : vector<16xf32>
    %div3A_393 = arith.divf %neg3A_392, %get3A_387 : vector<16xf32>
    %exp3A_394 = math.exp %div3A_393 : vector<16xf32>
    %sub3A_395 = arith.constant 1.000000e+00 : f32
    %sub3A_396 = vector.broadcast %sub3A_395 : f32 to vector<16xf32>
    %sub3A_397 = arith.subf %sub3A_396, %exp3A_394 : vector<16xf32>
    %sub3A_398 = arith.subf %get3A_378, %sub3A_397 : vector<16xf32>
    %abs3A_399 = math.absf %sub3A_398 : vector<16xf32>
    %add3A_400 = arith.addf %abs3A_389, %abs3A_399 : vector<16xf32>
    %mul3A_401 = arith.mulf %convert_element_type3A_384, %add3A_400 : vector<16xf32>
    %add3A_402 = arith.addf %add3A_372, %mul3A_401 : vector<16xf32>
    %get3A_403 = arith.constant 112 : index
    %get3A_404 = tpu.vector_load %arg11[%get3A_403] {strides = array<i32>} : memref<128xf32, #tpu.memory_space<vmem>>, vector<16xf32>,
    %get3A_405 = vector.shape_cast %get3A_404 : vector<16xf32> to vector<16xf32>
    %get3A_406 = arith.constant 112 : index
    %get3A_407 = tpu.vector_load %arg12[%get3A_406] {strides = array<i32>} : memref<128xf32, #tpu.memory_space<vmem>>, vector<16xf32>,
    %get3A_408 = vector.shape_cast %get3A_407 : vector<16xf32> to vector<16xf32>
    %get3A_409 = arith.constant 1 : i32
    %get3A_410 = arith.index_cast %get3A_409 : i32 to index
    %get3A_411 = arith.constant 112 : index
    %get3A_412 = tpu.vector_load %arg7[%get3A_410, %get3A_411] {strides = array<i32>} : memref<2x128xi32, #tpu.memory_space<vmem>>, vector<1x16xi32>,
    %get3A_413 = vector.shape_cast %get3A_412 : vector<1x16xi32> to vector<16xi32>
    %convert_element_type3A_414 = arith.sitofp %get3A_413 : vector<16xi32> to vector<16xf32>
    %get3A_415 = arith.constant 112 : index
    %get3A_416 = tpu.vector_load %arg8[%get3A_415] {strides = array<i32>} : memref<128xf32, #tpu.memory_space<vmem>>, vector<16xf32>,
    %get3A_417 = vector.shape_cast %get3A_416 : vector<16xf32> to vector<16xf32>
    %sub3A_418 = arith.subf %get3A_405, %get3A_417 : vector<16xf32>
    %abs3A_419 = math.absf %sub3A_418 : vector<16xf32>
    %neg3A_420 = arith.constant 0.000000e+00 : f32
    %neg3A_421 = vector.broadcast %neg3A_420 : f32 to vector<16xf32>
    %neg3A_422 = arith.subf %neg3A_421, %abs3A_419 : vector<16xf32>
    %div3A_423 = arith.divf %neg3A_422, %get3A_417 : vector<16xf32>
    %exp3A_424 = math.exp %div3A_423 : vector<16xf32>
    %sub3A_425 = arith.constant 1.000000e+00 : f32
    %sub3A_426 = vector.broadcast %sub3A_425 : f32 to vector<16xf32>
    %sub3A_427 = arith.subf %sub3A_426, %exp3A_424 : vector<16xf32>
    %sub3A_428 = arith.subf %get3A_408, %sub3A_427 : vector<16xf32>
    %abs3A_429 = math.absf %sub3A_428 : vector<16xf32>
    %add3A_430 = arith.addf %abs3A_419, %abs3A_429 : vector<16xf32>
    %mul3A_431 = arith.mulf %convert_element_type3A_414, %add3A_430 : vector<16xf32>
    %add3A_432 = arith.addf %add3A_402, %mul3A_431 : vector<16xf32>
    %swap3A_433 = arith.constant 0 : index
    %swap3A_434 = tpu.vector_load %arg13[%swap3A_433] {strides = array<i32>} : memref<16xf32, #tpu.memory_space<vmem>>, vector<16xf32>,
    %swap3A_435 = vector.shape_cast %swap3A_434 : vector<16xf32> to vector<16xf32>
    %swap3A_436 = vector.shape_cast %add3A_432 : vector<16xf32> to vector<16xf32>
    tpu.vector_store %arg13[%swap3A_433], %swap3A_436 {strides = array<i32>} : memref<16xf32, #tpu.memory_space<vmem>>, vector<16xf32>,
    %mul3A_437 = arith.constant 16 : i32
    %mul3A_438 = arith.muli %arg1, %mul3A_437 : i32
    "tpu.region"() ({
      %run_scoped3A = tpu.sem_alloc : memref<!tpu.dma_semaphore, #tpu.memory_space<semaphore_mem>>
      %dma_start3A_442 = tpu.memref_slice %arg15[%mul3A_438] : memref<256xf32, #tpu.memory_space<vmem_shared>> -> memref<16xf32, #tpu.memory_space<vmem_shared>>
      %dma_start3A_443 = tpu.memref_slice %arg15[%mul3A_438] : memref<256xf32, #tpu.memory_space<vmem_shared>> -> memref<16xf32, #tpu.memory_space<vmem_shared>>
      tpu.enqueue_dma source(%arg13 : memref<16xf32, #tpu.memory_space<vmem>>) target(%dma_start3A_443 : memref<16xf32, #tpu.memory_space<vmem_shared>>) target_semaphore(%run_scoped3A : memref<!tpu.dma_semaphore, #tpu.memory_space<semaphore_mem>>)
      %dma_wait3A_444 = tpu.memref_slice %arg15[%mul3A_438] : memref<256xf32, #tpu.memory_space<vmem_shared>> -> memref<16xf32, #tpu.memory_space<vmem_shared>>
      %dma_wait3A_445 = tpu.memref_slice %arg15[%mul3A_438] : memref<256xf32, #tpu.memory_space<vmem_shared>> -> memref<16xf32, #tpu.memory_space<vmem_shared>>
      tpu.wait_dma2 semaphore(%run_scoped3A : memref<!tpu.dma_semaphore, #tpu.memory_space<semaphore_mem>>) src(%arg13 : memref<16xf32, #tpu.memory_space<vmem>>) dst(%dma_wait3A_445 : memref<16xf32, #tpu.memory_space<vmem_shared>>)
      tpu.yield
    }) : () -> ()
    %barrier3A = arith.constant 0 : index
    tpu.barrier barrier_id(%barrier3A)
    %eq3A = arith.constant 0 : i32
    %eq3A_439 = arith.cmpi eq, %arg1, %eq3A : i32
    %convert_element_type3A_440 = arith.extui %eq3A_439 : i1 to i32
    %cond3A = arith.constant 0 : i32
    %cond3A_441 = arith.cmpi ne, %convert_element_type3A_440, %cond3A : i32
    scf.if %cond3A_441 {
      "tpu.region"() ({
        %run_scoped3A = tpu.sem_alloc : memref<!tpu.dma_semaphore, #tpu.memory_space<semaphore_mem>>
        tpu.enqueue_dma source(%arg15 : memref<256xf32, #tpu.memory_space<vmem_shared>>) target(%arg14 : memref<256xf32, #tpu.memory_space<vmem>>) target_semaphore(%run_scoped3A : memref<!tpu.dma_semaphore, #tpu.memory_space<semaphore_mem>>)
        tpu.wait_dma2 semaphore(%run_scoped3A : memref<!tpu.dma_semaphore, #tpu.memory_space<semaphore_mem>>) src(%arg15 : memref<256xf32, #tpu.memory_space<vmem_shared>>) dst(%arg14 : memref<256xf32, #tpu.memory_space<vmem>>)
        tpu.yield
      }) : () -> ()
      %broadcast_in_dim3A_442 = arith.constant 0.000000e+00 : f32
      %broadcast_in_dim3A_443 = vector.broadcast %broadcast_in_dim3A_442 : f32 to vector<16xf32>
      %get3A_444 = arith.constant 0 : index
      %get3A_445 = tpu.vector_load %arg14[%get3A_444] {strides = array<i32>} : memref<256xf32, #tpu.memory_space<vmem>>, vector<16xf32>,
      %get3A_446 = vector.shape_cast %get3A_445 : vector<16xf32> to vector<16xf32>
      %add3A_447 = arith.addf %broadcast_in_dim3A_443, %get3A_446 : vector<16xf32>
      %get3A_448 = arith.constant 16 : index
      %get3A_449 = tpu.vector_load %arg14[%get3A_448] {strides = array<i32>} : memref<256xf32, #tpu.memory_space<vmem>>, vector<16xf32>,
      %get3A_450 = vector.shape_cast %get3A_449 : vector<16xf32> to vector<16xf32>
      %add3A_451 = arith.addf %add3A_447, %get3A_450 : vector<16xf32>
      %get3A_452 = arith.constant 32 : index
      %get3A_453 = tpu.vector_load %arg14[%get3A_452] {strides = array<i32>} : memref<256xf32, #tpu.memory_space<vmem>>, vector<16xf32>,
      %get3A_454 = vector.shape_cast %get3A_453 : vector<16xf32> to vector<16xf32>
      %add3A_455 = arith.addf %add3A_451, %get3A_454 : vector<16xf32>
      %get3A_456 = arith.constant 48 : index
      %get3A_457 = tpu.vector_load %arg14[%get3A_456] {strides = array<i32>} : memref<256xf32, #tpu.memory_space<vmem>>, vector<16xf32>,
      %get3A_458 = vector.shape_cast %get3A_457 : vector<16xf32> to vector<16xf32>
      %add3A_459 = arith.addf %add3A_455, %get3A_458 : vector<16xf32>
      %get3A_460 = arith.constant 64 : index
      %get3A_461 = tpu.vector_load %arg14[%get3A_460] {strides = array<i32>} : memref<256xf32, #tpu.memory_space<vmem>>, vector<16xf32>,
      %get3A_462 = vector.shape_cast %get3A_461 : vector<16xf32> to vector<16xf32>
      %add3A_463 = arith.addf %add3A_459, %get3A_462 : vector<16xf32>
      %get3A_464 = arith.constant 80 : index
      %get3A_465 = tpu.vector_load %arg14[%get3A_464] {strides = array<i32>} : memref<256xf32, #tpu.memory_space<vmem>>, vector<16xf32>,
      %get3A_466 = vector.shape_cast %get3A_465 : vector<16xf32> to vector<16xf32>
      %add3A_467 = arith.addf %add3A_463, %get3A_466 : vector<16xf32>
      %get3A_468 = arith.constant 96 : index
      %get3A_469 = tpu.vector_load %arg14[%get3A_468] {strides = array<i32>} : memref<256xf32, #tpu.memory_space<vmem>>, vector<16xf32>,
      %get3A_470 = vector.shape_cast %get3A_469 : vector<16xf32> to vector<16xf32>
      %add3A_471 = arith.addf %add3A_467, %get3A_470 : vector<16xf32>
      %get3A_472 = arith.constant 112 : index
      %get3A_473 = tpu.vector_load %arg14[%get3A_472] {strides = array<i32>} : memref<256xf32, #tpu.memory_space<vmem>>, vector<16xf32>,
      %get3A_474 = vector.shape_cast %get3A_473 : vector<16xf32> to vector<16xf32>
      %add3A_475 = arith.addf %add3A_471, %get3A_474 : vector<16xf32>
      %get3A_476 = arith.constant 128 : index
      %get3A_477 = tpu.vector_load %arg14[%get3A_476] {strides = array<i32>} : memref<256xf32, #tpu.memory_space<vmem>>, vector<16xf32>,
      %get3A_478 = vector.shape_cast %get3A_477 : vector<16xf32> to vector<16xf32>
      %add3A_479 = arith.addf %add3A_475, %get3A_478 : vector<16xf32>
      %get3A_480 = arith.constant 144 : index
      %get3A_481 = tpu.vector_load %arg14[%get3A_480] {strides = array<i32>} : memref<256xf32, #tpu.memory_space<vmem>>, vector<16xf32>,
      %get3A_482 = vector.shape_cast %get3A_481 : vector<16xf32> to vector<16xf32>
      %add3A_483 = arith.addf %add3A_479, %get3A_482 : vector<16xf32>
      %get3A_484 = arith.constant 160 : index
      %get3A_485 = tpu.vector_load %arg14[%get3A_484] {strides = array<i32>} : memref<256xf32, #tpu.memory_space<vmem>>, vector<16xf32>,
      %get3A_486 = vector.shape_cast %get3A_485 : vector<16xf32> to vector<16xf32>
      %add3A_487 = arith.addf %add3A_483, %get3A_486 : vector<16xf32>
      %get3A_488 = arith.constant 176 : index
      %get3A_489 = tpu.vector_load %arg14[%get3A_488] {strides = array<i32>} : memref<256xf32, #tpu.memory_space<vmem>>, vector<16xf32>,
      %get3A_490 = vector.shape_cast %get3A_489 : vector<16xf32> to vector<16xf32>
      %add3A_491 = arith.addf %add3A_487, %get3A_490 : vector<16xf32>
      %get3A_492 = arith.constant 192 : index
      %get3A_493 = tpu.vector_load %arg14[%get3A_492] {strides = array<i32>} : memref<256xf32, #tpu.memory_space<vmem>>, vector<16xf32>,
      %get3A_494 = vector.shape_cast %get3A_493 : vector<16xf32> to vector<16xf32>
      %add3A_495 = arith.addf %add3A_491, %get3A_494 : vector<16xf32>
      %get3A_496 = arith.constant 208 : index
      %get3A_497 = tpu.vector_load %arg14[%get3A_496] {strides = array<i32>} : memref<256xf32, #tpu.memory_space<vmem>>, vector<16xf32>,
      %get3A_498 = vector.shape_cast %get3A_497 : vector<16xf32> to vector<16xf32>
      %add3A_499 = arith.addf %add3A_495, %get3A_498 : vector<16xf32>
      %get3A_500 = arith.constant 224 : index
      %get3A_501 = tpu.vector_load %arg14[%get3A_500] {strides = array<i32>} : memref<256xf32, #tpu.memory_space<vmem>>, vector<16xf32>,
      %get3A_502 = vector.shape_cast %get3A_501 : vector<16xf32> to vector<16xf32>
      %add3A_503 = arith.addf %add3A_499, %get3A_502 : vector<16xf32>
      %get3A_504 = arith.constant 240 : index
      %get3A_505 = tpu.vector_load %arg14[%get3A_504] {strides = array<i32>} : memref<256xf32, #tpu.memory_space<vmem>>, vector<16xf32>,
      %get3A_506 = vector.shape_cast %get3A_505 : vector<16xf32> to vector<16xf32>
      %add3A_507 = arith.addf %add3A_503, %get3A_506 : vector<16xf32>
      %slice3A = vector.extract_strided_slice %add3A_507 {offsets = [0], sizes = [1], strides = [1]} : vector<16xf32> to vector<1xf32>
      %squeeze3A = vector.extract %slice3A[0] : f32 from vector<1xf32>
      %add3A_508 = arith.constant 0.000000e+00 : f32
      %add3A_509 = arith.addf %add3A_508, %squeeze3A : f32
      %slice3A_510 = vector.extract_strided_slice %add3A_507 {offsets = [1], sizes = [1], strides = [1]} : vector<16xf32> to vector<1xf32>
      %squeeze3A_511 = vector.extract %slice3A_510[0] : f32 from vector<1xf32>
      %add3A_512 = arith.addf %add3A_509, %squeeze3A_511 : f32
      %slice3A_513 = vector.extract_strided_slice %add3A_507 {offsets = [2], sizes = [1], strides = [1]} : vector<16xf32> to vector<1xf32>
      %squeeze3A_514 = vector.extract %slice3A_513[0] : f32 from vector<1xf32>
      %add3A_515 = arith.addf %add3A_512, %squeeze3A_514 : f32
      %slice3A_516 = vector.extract_strided_slice %add3A_507 {offsets = [3], sizes = [1], strides = [1]} : vector<16xf32> to vector<1xf32>
      %squeeze3A_517 = vector.extract %slice3A_516[0] : f32 from vector<1xf32>
      %add3A_518 = arith.addf %add3A_515, %squeeze3A_517 : f32
      %slice3A_519 = vector.extract_strided_slice %add3A_507 {offsets = [4], sizes = [1], strides = [1]} : vector<16xf32> to vector<1xf32>
      %squeeze3A_520 = vector.extract %slice3A_519[0] : f32 from vector<1xf32>
      %add3A_521 = arith.addf %add3A_518, %squeeze3A_520 : f32
      %slice3A_522 = vector.extract_strided_slice %add3A_507 {offsets = [5], sizes = [1], strides = [1]} : vector<16xf32> to vector<1xf32>
      %squeeze3A_523 = vector.extract %slice3A_522[0] : f32 from vector<1xf32>
      %add3A_524 = arith.addf %add3A_521, %squeeze3A_523 : f32
      %slice3A_525 = vector.extract_strided_slice %add3A_507 {offsets = [6], sizes = [1], strides = [1]} : vector<16xf32> to vector<1xf32>
      %squeeze3A_526 = vector.extract %slice3A_525[0] : f32 from vector<1xf32>
      %add3A_527 = arith.addf %add3A_524, %squeeze3A_526 : f32
      %slice3A_528 = vector.extract_strided_slice %add3A_507 {offsets = [7], sizes = [1], strides = [1]} : vector<16xf32> to vector<1xf32>
      %squeeze3A_529 = vector.extract %slice3A_528[0] : f32 from vector<1xf32>
      %add3A_530 = arith.addf %add3A_527, %squeeze3A_529 : f32
      %slice3A_531 = vector.extract_strided_slice %add3A_507 {offsets = [8], sizes = [1], strides = [1]} : vector<16xf32> to vector<1xf32>
      %squeeze3A_532 = vector.extract %slice3A_531[0] : f32 from vector<1xf32>
      %add3A_533 = arith.addf %add3A_530, %squeeze3A_532 : f32
      %slice3A_534 = vector.extract_strided_slice %add3A_507 {offsets = [9], sizes = [1], strides = [1]} : vector<16xf32> to vector<1xf32>
      %squeeze3A_535 = vector.extract %slice3A_534[0] : f32 from vector<1xf32>
      %add3A_536 = arith.addf %add3A_533, %squeeze3A_535 : f32
      %slice3A_537 = vector.extract_strided_slice %add3A_507 {offsets = [10], sizes = [1], strides = [1]} : vector<16xf32> to vector<1xf32>
      %squeeze3A_538 = vector.extract %slice3A_537[0] : f32 from vector<1xf32>
      %add3A_539 = arith.addf %add3A_536, %squeeze3A_538 : f32
      %slice3A_540 = vector.extract_strided_slice %add3A_507 {offsets = [11], sizes = [1], strides = [1]} : vector<16xf32> to vector<1xf32>
      %squeeze3A_541 = vector.extract %slice3A_540[0] : f32 from vector<1xf32>
      %add3A_542 = arith.addf %add3A_539, %squeeze3A_541 : f32
      %slice3A_543 = vector.extract_strided_slice %add3A_507 {offsets = [12], sizes = [1], strides = [1]} : vector<16xf32> to vector<1xf32>
      %squeeze3A_544 = vector.extract %slice3A_543[0] : f32 from vector<1xf32>
      %add3A_545 = arith.addf %add3A_542, %squeeze3A_544 : f32
      %slice3A_546 = vector.extract_strided_slice %add3A_507 {offsets = [13], sizes = [1], strides = [1]} : vector<16xf32> to vector<1xf32>
      %squeeze3A_547 = vector.extract %slice3A_546[0] : f32 from vector<1xf32>
      %add3A_548 = arith.addf %add3A_545, %squeeze3A_547 : f32
      %slice3A_549 = vector.extract_strided_slice %add3A_507 {offsets = [14], sizes = [1], strides = [1]} : vector<16xf32> to vector<1xf32>
      %squeeze3A_550 = vector.extract %slice3A_549[0] : f32 from vector<1xf32>
      %add3A_551 = arith.addf %add3A_548, %squeeze3A_550 : f32
      %slice3A_552 = vector.extract_strided_slice %add3A_507 {offsets = [15], sizes = [1], strides = [1]} : vector<16xf32> to vector<1xf32>
      %squeeze3A_553 = vector.extract %slice3A_552[0] : f32 from vector<1xf32>
      %add3A_554 = arith.addf %add3A_551, %squeeze3A_553 : f32
      %mul3A_555 = arith.constant 4.8828125E-4 : f32
      %mul3A_556 = arith.mulf %add3A_554, %mul3A_555 : f32
      %broadcast_in_dim3A_557 = vector.broadcast %mul3A_556 : f32 to vector<16xf32>
      %swap3A_558 = arith.constant 0 : index
      %swap3A_559 = tpu.vector_load %arg13[%swap3A_558] {strides = array<i32>} : memref<16xf32, #tpu.memory_space<vmem>>, vector<16xf32>,
      %swap3A_560 = vector.shape_cast %swap3A_559 : vector<16xf32> to vector<16xf32>
      %swap3A_561 = vector.shape_cast %broadcast_in_dim3A_557 : vector<16xf32> to vector<16xf32>
      tpu.vector_store %arg13[%swap3A_558], %swap3A_561 {strides = array<i32>} : memref<16xf32, #tpu.memory_space<vmem>>, vector<16xf32>,
      "tpu.region"() ({
        %run_scoped3A = tpu.sem_alloc : memref<!tpu.dma_semaphore, #tpu.memory_space<semaphore_mem>>
        tpu.enqueue_dma source(%arg13 : memref<16xf32, #tpu.memory_space<vmem>>) target(%arg6 : memref<16xf32, #tpu.memory_space<hbm>>) target_semaphore(%run_scoped3A : memref<!tpu.dma_semaphore, #tpu.memory_space<semaphore_mem>>)
        tpu.wait_dma2 semaphore(%run_scoped3A : memref<!tpu.dma_semaphore, #tpu.memory_space<semaphore_mem>>) src(%arg13 : memref<16xf32, #tpu.memory_space<vmem>>) dst(%arg6 : memref<16xf32, #tpu.memory_space<hbm>>)
        tpu.yield
      }) : () -> ()
    } else {
    }
    return
  }
}

</mosaic_0001>

<sc_bundles>
// kernel: kernel.3.cloned.1.call-start
scs
__scs_entry_jumppad:
0x0: {  	(pc) =	sbr.rel $0x88, $3  }
0x1: {  	(tag) =	ssettag $0x0;
	lr =	simm.s32 $0x1  }
0x2: {  	[smem:$0x3F9D] =	sst lr;
	_ =	strace $0xD0000000  }
0x3: {  	_ = 	snop  }
0x4: {  	_ = 	snop  }
0x5: {  	_ = 	snop  }
0x6: {  	_ = 	snop  }
0x7: {  	_ = 	snop  }
__scs_overlays_trampoline_lowered:
0x8: {  	[smem:$0x3FAC] =	sst s0  }
0x9: {  	[smem:$0x3FAD] =	sst s1  }
0xa: {  	[smem:$0x3FAE] =	sst s2  }
0xb: {  	[smem:$0x3FAF] =	sst s3  }
0xc: {  	[smem:$0x3FB0] =	sst s4  }
0xd: {  	[smem:$0x3FB1] =	sst s5  }
0xe: {  	[smem:$0x3FB2] =	sst s6  }
0xf: {  	[smem:$0x3FB3] =	sst s7  }
0x10: {  	[smem:$0x3FB4] =	sst s8  }
0x11: {  	[smem:$0x3FB5] =	sst s9;
	s0 =	simm.s32 @!p0 $0x0  }
0x12: {  	s1 =	sld [smem:$0x3F9B];
	s0 =	simm.s32 @p0 $0x1  }
0x13: {  	[smem:$0x3FB6] =	sst s0;
	s0 =	simm.s32 @!p1 $0x0  }
0x14: {  	s2 =	sld [smem:$0x3F9A];
	s0 =	simm.s32 @p1 $0x1  }
0x15: {  	[smem:$0x3FB7] =	sst s0;
	s0 =	simm.s32 @!p2 $0x0  }
0x16: {  	s3 =	sld [smem:$0x3FDB];
	s0 =	simm.s32 @p2 $0x1  }
0x17: {  	s4 =	simm.s32 $0x1BF5;
	[smem:$0x3FB9] =	sst s0  }
0x18: {  	s0 =	sld [smem:$0x3F9C];
	_ =	swait.ge [sflag:s4], $0x0  }
0x19: {  	s7 =	sld [smem:$0x3F9D]  }
0x1a: {  	s8 =	sadd.s32 $0xFFFFE003, lr  }
0x1b: {  	s9 =	sadd.s32 $0xFFFFFEF7, lr;
	s5 =	simm.s32 $0xFFFFFFFF;
	p2 =	slt.u32 s8, $0xFFFFF086  }
0x1c: {  	p1 =	slt.u32 s9, $0xF7A;
	s5 =	simm.s32 @!p2 $0x0  }
0x1d: {  	s5 =	simm.s32 @p1 $0x1;
	p0 =	seq.s32 s7, s2  }
0x1e: {  	s7 =	smul.u32 @!p0 $0xF7A, s2;
	p2 =	seq.s32 @!p0 s5, $0x0  }
0x1f: {  	s9 =	smul.u32 $0xF7A, s1;
	s8 =	simm.s32 @!p0 $0x1BF5;
	p2 =	por !p2, p0  }
0x20: {  	[sflag:s8] =	ssyncset.s32 @!p0 $0xFFFFF086;
	s6 =	sadd.s32 @!p0 s3, s7;
	s7 =	simm.s32 @!p0 $0x108  }
0x21: {  	s3 =	sadd.s32 s3, s9;
	s6 =	sadd.s32 @!p0 $0x88, s6;
	s7 =	simm.s32 @p2 $0x1082  }
0x22: {  	[simem:s7], [sflag:s8] =	dma.local @!p0 [hbm:s6], $0xF7A  }
0x23: {  	s9 =	sor.u32 $0xD0000000, s2;
	s6 =	simm.s32 $0x108;
	_ =	swait.ge @!p0 [sflag:s8], $0x0  }
0x24: {  	s3 =	sadd.s32 $0x88, s3;
	s6 =	simm.s32 @!p1 $0x1082;
	[sflag:s4] =	ssyncset.s32 $0xFFFFF086  }
0x25: {  	[simem:s6], [sflag:s4] =	dma.local [hbm:s3], $0xF7A  }
0x26: {  	[smem:$0x3F9D] =	sst s1;
	(tag) =	ssettag s2;
	_ =	strace s9  }
0x27: {  	s1 =	sld [smem:$0x3FAD]  }
0x28: {  	s2 =	sld [smem:$0x3FAE]  }
0x29: {  	s4 =	sld [smem:$0x3FB0]  }
0x2a: {  	p0 =	seq.s32 s5, $0x0;
	s5 =	sld [smem:$0x3FB1]  }
0x2b: {  	s6 =	sld [smem:$0x3FB2]  }
0x2c: {  	s7 =	sld [smem:$0x3FB3]  }
0x2d: {  	s3 =	simm.s32 $0x108;
	s8 =	sld [smem:$0x3FB4]  }
0x2e: {  	s3 =	simm.s32 @!p0 $0x1082;
	s9 =	sld [smem:$0x3FB5]  }
0x2f: {  	lr =	sadd.s32 s0, s3;
	s0 =	sld [smem:$0x3FAC]  }
0x30: {  	s3 =	sld [smem:$0x3FAF]  }
0x31: {  	[smem:$0x3FB8] =	sst s10  }
0x32: {  	s10 =	sld [smem:$0x3FB6];
	_ =	sdelay $0x3  }
0x33: {  	p0 =	seq.s32 s10, $0x1;
	s10 =	sld [smem:$0x3FB8];
	_ =	sdelay $0x3  }
0x34: {  	[smem:$0x3FB8] =	sst s10  }
0x35: {  	s10 =	sld [smem:$0x3FB7];
	_ =	sdelay $0x3  }
0x36: {  	p1 =	seq.s32 s10, $0x1;
	s10 =	sld [smem:$0x3FB8];
	_ =	sdelay $0x3  }
0x37: {  	[smem:$0x3FB8] =	sst s10  }
0x38: {  	s10 =	sld [smem:$0x3FB9]  }
0x39: {  	_ = 	snop;
	(pc) =	sbr.ind lr, $3  }
0x3a: {  	_ = 	snop  }
0x3b: {  	_ = 	snop  }
0x3c: {  	p2 =	seq.s32 s10, $0x1;
	s10 =	sld [smem:$0x3FB8]  }
0x3d: {  	_ =	shalt  }
0x3e: {  	_ =	shalt  }
0x3f: {  	_ =	shalt  }
0x40: {  	_ =	shalt  }
0x41: {  	_ =	shalt  }
0x42: {  	_ =	shalt  }
0x43: {  	_ =	shalt  }
0x44: {  	_ =	shalt  }
0x45: {  	_ =	shalt  }
0x46: {  	_ =	shalt  }
0x47: {  	_ =	shalt  }
0x48: {  	_ =	shalt  }
0x49: {  	_ =	shalt  }
0x4a: {  	_ =	shalt  }
0x4b: {  	_ =	shalt  }
0x4c: {  	_ =	shalt  }
0x4d: {  	_ =	shalt  }
0x4e: {  	_ =	shalt  }
0x4f: {  	_ =	shalt  }
0x50: {  	_ =	shalt  }
0x51: {  	_ =	shalt  }
0x52: {  	_ =	shalt  }
0x53: {  	_ =	shalt  }
0x54: {  	_ =	shalt  }
0x55: {  	_ =	shalt  }
0x56: {  	_ =	shalt  }
0x57: {  	_ =	shalt  }
0x58: {  	_ =	shalt  }
0x59: {  	_ =	shalt  }
0x5a: {  	_ =	shalt  }
0x5b: {  	_ =	shalt  }
0x5c: {  	_ =	shalt  }
0x5d: {  	_ =	shalt  }
0x5e: {  	_ =	shalt  }
0x5f: {  	_ =	shalt  }
0x60: {  	_ =	shalt  }
0x61: {  	_ =	shalt  }
0x62: {  	_ =	shalt  }
0x63: {  	_ =	shalt  }
0x64: {  	_ =	shalt  }
0x65: {  	_ =	shalt  }
0x66: {  	_ =	shalt  }
0x67: {  	_ =	shalt  }
0x68: {  	_ =	shalt  }
0x69: {  	_ =	shalt  }
0x6a: {  	_ =	shalt  }
0x6b: {  	_ =	shalt  }
0x6c: {  	_ =	shalt  }
0x6d: {  	_ =	shalt  }
0x6e: {  	_ =	shalt  }
0x6f: {  	_ =	shalt  }
0x70: {  	_ =	shalt  }
0x71: {  	_ =	shalt  }
0x72: {  	_ =	shalt  }
0x73: {  	_ =	shalt  }
0x74: {  	_ =	shalt  }
0x75: {  	_ =	shalt  }
0x76: {  	_ =	shalt  }
0x77: {  	_ =	shalt  }
0x78: {  	_ =	shalt  }
0x79: {  	_ =	shalt  }
0x7a: {  	_ =	shalt  }
0x7b: {  	_ =	shalt  }
0x7c: {  	_ =	shalt  }
0x7d: {  	_ =	shalt  }
0x7e: {  	_ =	shalt  }
0x7f: {  	_ =	shalt  }
0x80: {  	_ =	shalt  }
0x81: {  	_ =	shalt  }
0x82: {  	_ =	shalt  }
0x83: {  	_ =	shalt  }
0x84: {  	_ =	shalt  }
0x85: {  	_ =	shalt  }
0x86: {  	_ =	shalt  }
0x87: {  	_ =	shalt  }
.Lfunc_end0:
.L_simem_size_0:
called_computation_lowered:
.L_overlay_start_0:
0x88: {  	s0 =	sld [smem:$0x3FD9]  }
0x89: {  	s1 =	sld [smem:$0x3FFE];
	_ =	sdelay $0x3  }
0x8a: {  	s0 =	sadd.s32 s1, s0  }
0x8b: {  	[smem:$0x3FC4] =	sst s0  }
0x8c: {  	_ = 	snop  }
0x8d: {  	s0 =	sld [smem:$0x3FC9]  }
0x8e: {  	s17 =	sld [smem:$0x3FC8]  }
0x8f: {  	s2 =	sld [smem:$0x3FC7]  }
0x90: {  	s3 =	sld [smem:$0x3FC6]  }
0x91: {  	s4 =	sld [smem:$0x3FD0];
	(tm) =	ssettm $0x1  }
0x92: {  	s5 =	sld [smem:$0x3FFB];
	_ =	sdelay $0x3  }
0x93: {  	_ =	strace s5  }
0x94: {  	s5 =	sld [smem:$0x3FFC];
	_ =	sdelay $0x3  }
0x95: {  	_ =	strace s5  }
0x96: {  	s5 =	sld [smem:$0x3FFD];
	_ =	sdelay $0x3  }
0x97: {  	_ =	strace s5  }
0x98: {  	_ =	strace $0x8FFFFFFF  }
0x99: {  	s18 =	sld [smem:$0x3FDB];
	_ =	sdelay $0x1  }
0x9a: {  	s6 =	simm.s32 $_scs_section_size  }
0x9b: {  	s7 =	simm.s32 $_size__tile_overlayer_lowered;
	s8 =	simm.s32 $_tile_overlayer_lowered  }
0x9c: {  	s21 =	simm.s32 $0x1BFF;
	s20 =	sshll.u32 s8, $0x1;
	s5 =	sadd.s32 s6, s18  }
0x9d: {  	s9 =	simm.s32 $0x0;
	s19 =	sshll.u32 s7, $0x1;
	s7 =	sadd.s32 s20, s5  }
0x9e: {  	[timem:s9], [sflag:s21] =	dma.local [hbm:s7], s19  }
0x9f: {  	_ =	swait.ge [sflag:s21], s19  }
0xa0: {  	s6 =	ssub.s32 $0x0, s19;
	[sflag:s21] =	ssyncset.done $0x0  }
0xa1: {  	[sflag:s21] =	ssyncadd.s32 s6;
	_ =	sdelay $0x1  }
0xa2: {  	s22 =	simm.s32 $0x1B8B  }
0xa3: {  	_ =	swait.ge [sflag:s22], $0x1  }
0xa4: {  	[sflag:s22] =	ssyncset.done $0x0  }
0xa5: {  	s23 =	simm.s32 $0x1B8E;
	[sflag:s22] =	ssyncadd.s32 $0xFFFFFFFF  }
0xa6: {  	s24 =	simm.s32 $execute0_lowered;
	[smem:$0x3FD2] =	sst s23  }
0xa7: {  	s6 =	sshll.u32 s24, $0x1;
	_ =	strace $0x80000046;
	[dreg:$0x1] =	wrdreg $0xFFFFFFFF  }
0xa8: {  	s25 =	simm.s32 $_size_execute0_lowered;
	s5 =	sadd.s32 s5, s6;
	[dreg:$0x0] =	wrdreg $0x0  }
0xa9: {  	s6 =	sshll.u32 s25, $0x1;
	[dreg:$0x2] =	wrdreg s5  }
0xaa: {  	[dreg:$0x3] =	wrdreg s6  }
0xab: {  	[dreg:$0x4] =	wrdreg $0xC0  }
0xac: {  	_ =	task [dreg:s9], $0x5FFFF  }
0xad: {  	[dreg:$0x1] =	wrdreg $0xFFFFFFFF  }
0xae: {  	[dreg:$0x0] =	wrdreg $0x60  }
0xaf: {  	[dreg:$0x2] =	wrdreg s0  }
0xb0: {  	[dreg:$0x3] =	wrdreg s2  }
0xb1: {  	[dreg:$0x4] =	wrdreg s17  }
0xb2: {  	[dreg:$0x5] =	wrdreg s3  }
0xb3: {  	[dreg:$0x6] =	wrdreg s4  }
0xb4: {  	[dreg:$0x7] =	wrdreg $0x5000  }
0xb5: {  	[dreg:$0x8] =	wrdreg $0x9  }
0xb6: {  	_ =	task.clear_ibuf [dreg:s9], $0x9FFFF;
	_ =	strace $0x90000046  }
0xb7: {  	s26 =	simm.s32 $0x9;
	_ =	strace $0x80000048  }
0xb8: {  	_ =	swait.ge [sflag:s26], $0x1  }
0xb9: {  	[sflag:s26] =	ssyncadd.s32 $0xFFFFFFFF  }
0xba: {  	_ =	strace $0x90000048  }
0xbb: {  	_ =	sfence  }
0xbc: {  	s28 =	sld [smem:$0x0];
	_ =	sdelay $0x1  }
0xbd: {  	s29 =	srdreg.scid  }
0xbe: {  	s30 =	sshll.u32 s29, $0xD;
	s31 =	sshrl.u32 s29, $0x2  }
0xbf: {  	s1 =	sand.u32 $0x1, s29;
	s2 =	sand.u32 $0x4000, s30;
	s0 =	sadd.s32 s31, s28  }
0xc0: {  	s1 =	sor.u32 s2, s1;
	s0 =	sshll.u32 s0, $0x11  }
0xc1: {  	s0 =	sor.u32 s0, s1  }
0xc2: {  	s0 =	sadd.s32 $0x8F2B, s0  }
0xc3: {  	[sflag:s0] =	ssyncadd.remote.s32 $0x1  }
0xc4: {  	_ =	sfence.sel $0xFFFF  }
0xc5: {  	[dreg:$0x0] =	wrdreg $0xFFFFFFFF;
	(pc) =	sbr.abs _section_cstart, $3  }
0xc6: {  	[dreg:$0x1] =	wrdreg $0xFFFFFFFF  }
0xc7: {  	_ =	task.clear_ibuf [dreg:s9], $0x2FFFF;
	_ =	strace $0x9FFFFFFF  }
0xc8: {  	(tm) =	ssettm $0x7FFFFFFF  }
0xc9: {  	_ =	shalt  }
tec
execute0_lowered:
.L_overlay_start_1:
0x0: {  	(tag) =	ssettag $0x1  }
0x1: {  	s6 =	rddreg [dreg:$0x0]  }
0x2: {  	s7 =	rddreg [dreg:$0x1]  }
0x3: {  	s8 =	rddreg [dreg:$0x2]  }
0x4: {  	s9 =	rddreg [dreg:$0x3]  }
0x5: {  	s1 =	rddreg [dreg:$0x4]  }
0x6: {  	s3 =	rddreg [dreg:$0x5];
	s2 =	simm.s32 $0x0;
	s4 =	stileid.u32  }
0x7: {  	[smem:$0x7FF] =	sst s2;
	s5 =	sshll.u32 s4, $0x4  }
0x8: {  	s0 =	rddreg [dreg:$0x6];
	_ =	strace $0x80000047;
	s7 =	sadd.s32 s7, s5  }
0x9: {  	[tilespmem:s2], [sflag:$0x1] =	stream.linear.gather [hbm4b:s7+s2], $0x80, $0x38;
	[tilespmem:$0x510] =	vst v63  }
0xa: {  	s20 =	simm.s32 $0x80;
	s19 =	sadd.s32 s8, s5  }
0xb: {  	[tilespmem:s20], [sflag:$0x2] =	stream.linear.gather [hbm4b:s19+s2], $0x80, $0x38;
	[tilespmem:$0x510] =	vst v63  }
0xc: {  	s22 =	simm.s32 $0x100;
	s23 =	simm.s32 $0x1;
	s21 =	sadd.s32 s9, s5  }
0xd: {  	[tilespmem:s22], [sflag:$0x3] =	stream.linear.gather [hbm4b:s21+s2], $0x80, $0x38;
	[tilespmem:$0x510] =	vst v63  }
0xe: {  	_ =	swait.ge [sflag:s23], $0x80  }
0xf: {  	[sflag:s23] =	ssyncset.done $0x0  }
0x10: {  	[sflag:s23] =	ssyncadd.s32 $0xFFFFFF80  }
0x11: {  	v0 =	vld [tilespmem:$0x0];
	_ =	sdelay $0x1  }
0x12: {  	v1 =	vld [tilespmem:$0x10];
	_ =	sdelay $0x1  }
0x13: {  	s24 =	sshll.u32 s4, $0xF;
	v2 =	vld [tilespmem:$0x20]  }
0x14: {  	s10 =	sor.u32 $0x4000, s24;
	v3 =	vadd.s32 s24, v0  }
0x15: {  	v34 =	vld [tilespmem:$0x30];
	v0 =	vadd.s32 s10, v0;
	[tilespmem:$0x180] =	vst v3  }
0x16: {  	v35 =	vadd.s32 s24, v1;
	[tilespmem:$0x200] =	vst v0  }
0x17: {  	v37 =	vld [tilespmem:$0x40];
	v36 =	vadd.s32 s10, v1;
	[tilespmem:$0x190] =	vst v35  }
0x18: {  	v38 =	vadd.s32 s24, v2;
	[tilespmem:$0x210] =	vst v36  }
0x19: {  	v40 =	vld [tilespmem:$0x50];
	v39 =	vadd.s32 s10, v2;
	[tilespmem:$0x1A0] =	vst v38  }
0x1a: {  	v41 =	vadd.s32 s24, v34;
	[tilespmem:$0x220] =	vst v39  }
0x1b: {  	v43 =	vld [tilespmem:$0x60];
	v42 =	vadd.s32 s10, v34;
	[tilespmem:$0x1B0] =	vst v41  }
0x1c: {  	v44 =	vadd.s32 s24, v37;
	[tilespmem:$0x230] =	vst v42  }
0x1d: {  	v46 =	vld [tilespmem:$0x70];
	v45 =	vadd.s32 s10, v37;
	[tilespmem:$0x1C0] =	vst v44  }
0x1e: {  	v47 =	vadd.s32 s24, v40;
	[tilespmem:$0x240] =	vst v45  }
0x1f: {  	v48 =	vadd.s32 s10, v40;
	[tilespmem:$0x1D0] =	vst v47  }
0x20: {  	v49 =	vadd.s32 s24, v43;
	[tilespmem:$0x250] =	vst v48  }
0x21: {  	v50 =	vadd.s32 s10, v43;
	[tilespmem:$0x1E0] =	vst v49  }
0x22: {  	v51 =	vadd.s32 s24, v46;
	[tilespmem:$0x260] =	vst v50  }
0x23: {  	v52 =	vadd.s32 s10, v46;
	[tilespmem:$0x1F0] =	vst v51  }
0x24: {  	s25 =	simm.s32 $0x180;
	s26 =	simm.s32 $0x280;
	[tilespmem:$0x270] =	vst v52  }
0x25: {  	[tilespmem:s26], [sflag:$0x1] =	stream.indirect.gather [hbm4b:s6+s20], $0x1, s25, s20, $0xb8;
	[tilespmem:$0x510] =	vst v63  }
0x26: {  	s28 =	simm.s32 $0x200;
	s29 =	simm.s32 $0x300;
	s30 =	simm.s32 $0x2  }
0x27: {  	[tilespmem:s29], [sflag:$0x2] =	stream.indirect.gather [hbm4b:s6+s20], $0x1, s28, s20, $0xb8;
	[tilespmem:$0x510] =	vst v63  }
0x28: {  	_ =	swait.ge [sflag:s30], $0x80  }
0x29: {  	[sflag:s30] =	ssyncset.done $0x0  }
0x2a: {  	s31 =	simm.s32 $0x3;
	[sflag:s30] =	ssyncadd.s32 $0xFFFFFF80  }
0x2b: {  	_ =	swait.ge [sflag:s31], $0x80  }
0x2c: {  	[sflag:s31] =	ssyncset.done $0x0  }
0x2d: {  	[sflag:s31] =	ssyncadd.s32 $0xFFFFFF80  }
0x2e: {  	_ =	swait.ge [sflag:s23], $0x80  }
0x2f: {  	[sflag:s23] =	ssyncset.done $0x0  }
0x30: {  	[sflag:s23] =	ssyncadd.s32 $0xFFFFFF80  }
0x31: {  	_ =	swait.ge [sflag:s30], $0x80  }
0x32: {  	[sflag:s30] =	ssyncset.done $0x0  }
0x33: {  	[sflag:s30] =	ssyncadd.s32 $0xFFFFFF80  }
0x34: {  	v53 =	vld [tilespmem:$0x100];
	_ =	sdelay $0x4  }
0x35: {  	v54 =	vld [tilespmem:$0x280];
	(erf) = vrcp.f32 v53;
	_ =	sdelay $0x4  }
0x36: {  	v0 =	vsub.f32 v54, v53;
	_ =	sdelay $0x1  }
0x37: {  	v0 =	vand.u32 $0x7FFFFFFF, v0  }
0x38: {  	v55 =	vsub.f32 $0.0e+00, v0  }
0x39: {  	v56 =	vpop (erf)  }
0x3a: {  	v57 =	vld [tilespmem:$0x110];
	v1 =	vmul.f32 v55, v56;
	_ =	sdelay $0x1  }
0x3b: {  	v1 =	vmul.f32 $1.442695020e+00, v1;
	_ =	sdelay $0x1  }
0x3c: {  	(erf) = vpow2.f32 v1  }
0x3d: {  	v58 =	vld [tilespmem:$0x290];
	(erf) = vrcp.f32 v57;
	_ =	sdelay $0x4  }
0x3e: {  	v1 =	vsub.f32 v58, v57;
	_ =	sdelay $0x1  }
0x3f: {  	v1 =	vand.u32 $0x7FFFFFFF, v1  }
0x40: {  	v60 =	vsub.f32 $0.0e+00, v1;
	v59 =	vpop (erf)  }
0x41: {  	v4 =	vpop (erf)  }
0x42: {  	v61 =	vld [tilespmem:$0x120];
	v3 =	vmul.f32 v60, v4;
	_ =	sdelay $0x1  }
0x43: {  	v3 =	vmul.f32 $1.442695020e+00, v3;
	_ =	sdelay $0x1  }
0x44: {  	(erf) = vpow2.f32 v3  }
0x45: {  	v62 =	vld [tilespmem:$0x2A0];
	(erf) = vrcp.f32 v61;
	_ =	sdelay $0x4  }
0x46: {  	v3 =	vsub.f32 v62, v61;
	_ =	sdelay $0x1  }
0x47: {  	v3 =	vand.u32 $0x7FFFFFFF, v3  }
0x48: {  	v5 =	vsub.f32 $0.0e+00, v3;
	v63 =	vpop (erf)  }
0x49: {  	v6 =	vpop (erf)  }
0x4a: {  	v19 =	vld [tilespmem:$0x130];
	v5 =	vmul.f32 v5, v6;
	_ =	sdelay $0x1  }
0x4b: {  	v5 =	vmul.f32 $1.442695020e+00, v5;
	_ =	sdelay $0x1  }
0x4c: {  	(erf) = vpow2.f32 v5  }
0x4d: {  	v20 =	vld [tilespmem:$0x2B0];
	(erf) = vrcp.f32 v19;
	_ =	sdelay $0x4  }
0x4e: {  	v5 =	vsub.f32 v20, v19;
	_ =	sdelay $0x1  }
0x4f: {  	v5 =	vand.u32 $0x7FFFFFFF, v5  }
0x50: {  	v7 =	vsub.f32 $0.0e+00, v5;
	v21 =	vpop (erf)  }
0x51: {  	v8 =	vpop (erf)  }
0x52: {  	v22 =	vld [tilespmem:$0x140];
	v7 =	vmul.f32 v7, v8;
	_ =	sdelay $0x1  }
0x53: {  	v7 =	vmul.f32 $1.442695020e+00, v7;
	_ =	sdelay $0x1  }
0x54: {  	(erf) = vpow2.f32 v7  }
0x55: {  	v23 =	vld [tilespmem:$0x2C0];
	(erf) = vrcp.f32 v22;
	_ =	sdelay $0x4  }
0x56: {  	v7 =	vsub.f32 v23, v22;
	_ =	sdelay $0x1  }
0x57: {  	v7 =	vand.u32 $0x7FFFFFFF, v7  }
0x58: {  	v9 =	vsub.f32 $0.0e+00, v7;
	v24 =	vpop (erf)  }
0x59: {  	v10 =	vpop (erf)  }
0x5a: {  	v25 =	vld [tilespmem:$0x150];
	v9 =	vmul.f32 v9, v10;
	_ =	sdelay $0x1  }
0x5b: {  	v9 =	vmul.f32 $1.442695020e+00, v9;
	_ =	sdelay $0x1  }
0x5c: {  	(erf) = vpow2.f32 v9  }
0x5d: {  	v26 =	vld [tilespmem:$0x2D0];
	(erf) = vrcp.f32 v25;
	_ =	sdelay $0x4  }
0x5e: {  	v9 =	vsub.f32 v26, v25;
	_ =	sdelay $0x1  }
0x5f: {  	v9 =	vand.u32 $0x7FFFFFFF, v9  }
0x60: {  	v11 =	vsub.f32 $0.0e+00, v9;
	v27 =	vpop (erf)  }
0x61: {  	v12 =	vpop (erf)  }
0x62: {  	v28 =	vld [tilespmem:$0x160];
	v11 =	vmul.f32 v11, v12;
	_ =	sdelay $0x1  }
0x63: {  	v11 =	vmul.f32 $1.442695020e+00, v11;
	_ =	sdelay $0x1  }
0x64: {  	(erf) = vpow2.f32 v11  }
0x65: {  	v29 =	vld [tilespmem:$0x2E0];
	(erf) = vrcp.f32 v28;
	_ =	sdelay $0x4  }
0x66: {  	v11 =	vsub.f32 v29, v28;
	_ =	sdelay $0x1  }
0x67: {  	v11 =	vand.u32 $0x7FFFFFFF, v11  }
0x68: {  	v13 =	vsub.f32 $0.0e+00, v11;
	v30 =	vpop (erf)  }
0x69: {  	v14 =	vpop (erf)  }
0x6a: {  	v31 =	vld [tilespmem:$0x170];
	v13 =	vmul.f32 v13, v14;
	_ =	sdelay $0x1  }
0x6b: {  	v13 =	vmul.f32 $1.442695020e+00, v13;
	_ =	sdelay $0x1  }
0x6c: {  	(erf) = vpow2.f32 v13  }
0x6d: {  	v32 =	vld [tilespmem:$0x2F0];
	(erf) = vrcp.f32 v31;
	_ =	sdelay $0x1  }
0x6e: {  	v15 =	vld [tilespmem:$0x300];
	_ =	sdelay $0x2  }
0x6f: {  	v2 =	vsub.f32 $1.000000000e+00, v59;
	v13 =	vsub.f32 v32, v31  }
0x70: {  	v16 =	vld [tilespmem:$0x310]  }
0x71: {  	v17 =	vld [tilespmem:$0x80];
	v2 =	vsub.f32 v15, v2;
	v13 =	vand.u32 $0x7FFFFFFF, v13  }
0x72: {  	v37 =	vld [tilespmem:$0xA0];
	v35 =	vsub.f32 $0.0e+00, v13;
	v18 =	vpop (erf)  }
0x73: {  	v34 =	vld [tilespmem:$0x320];
	v2 =	vand.u32 $0x7FFFFFFF, v2;
	v36 =	vpop (erf)  }
0x74: {  	v43 =	vld [tilespmem:$0xC0];
	v0 =	vadd.f32 v2, v0;
	v2 =	vmul.f32 v35, v36  }
0x75: {  	v33 =	vld [tilespmem:$0x90]  }
0x76: {  	v38 =	vld [tilespmem:$0x330];
	v4 =	vsub.f32 $1.000000000e+00, v63;
	v6 =	vsub.f32 $1.000000000e+00, v21;
	v2 =	vmul.f32 $1.442695020e+00, v2  }
0x77: {  	v47 =	vld [tilespmem:$0xD0];
	v17 =	vcvt.s32.f32 v17;
	v41 =	vcvt.s32.f32 v37  }
0x78: {  	v4 =	vsub.f32 v16, v4;
	v6 =	vsub.f32 v34, v6;
	(erf) = vpow2.f32 v2  }
0x79: {  	v39 =	vld [tilespmem:$0x340];
	v50 =	vcvt.s32.f32 v43;
	v0 =	vmul.f32 v17, v0  }
0x7a: {  	v40 =	vld [tilespmem:$0xB0];
	v4 =	vand.u32 $0x7FFFFFFF, v4;
	v6 =	vand.u32 $0x7FFFFFFF, v6;
	v8 =	vsub.f32 $1.000000000e+00, v24  }
0x7b: {  	v42 =	vld [tilespmem:$0x350];
	v1 =	vadd.f32 v4, v1;
	v3 =	vadd.f32 v6, v3;
	v14 =	vcvt.s32.f32 v33  }
0x7c: {  	v56 =	vcvt.s32.f32 v47;
	v4 =	vsub.f32 v38, v8;
	v10 =	vsub.f32 $1.000000000e+00, v27  }
0x7d: {  	v48 =	vld [tilespmem:$0x360];
	v0 =	vadd.f32 $0.0e+00, v0;
	v44 =	vmul.f32 v41, v3;
	v1 =	vmul.f32 v14, v1  }
0x7e: {  	v51 =	vld [tilespmem:$0x370];
	v45 =	vand.u32 $0x7FFFFFFF, v4;
	v46 =	vsub.f32 v39, v10;
	v12 =	vsub.f32 $1.000000000e+00, v30  }
0x7f: {  	v52 =	vld [tilespmem:$0xE0];
	v3 =	vadd.f32 v45, v5;
	v0 =	vadd.f32 v1, v0;
	v2 =	vcvt.s32.f32 v40  }
0x80: {  	v4 =	vand.u32 $0x7FFFFFFF, v46;
	v49 =	vsub.f32 v42, v12;
	v53 =	vsub.f32 $1.000000000e+00, v18  }
0x81: {  	v57 =	vld [tilespmem:$0xF0];
	v4 =	vadd.f32 v4, v7;
	v0 =	vadd.f32 v44, v0;
	v2 =	vmul.f32 v2, v3;
	v55 =	vpop (erf)  }
0x82: {  	v1 =	vand.u32 $0x7FFFFFFF, v49;
	v5 =	vsub.f32 v48, v53;
	v3 =	vsub.f32 $1.000000000e+00, v55  }
0x83: {  	v54 =	vmul.f32 v50, v4;
	v1 =	vadd.f32 v1, v9;
	v0 =	vadd.f32 v2, v0  }
0x84: {  	v60 =	vcvt.s32.f32 v52;
	v59 =	vand.u32 $0x7FFFFFFF, v5;
	v58 =	vsub.f32 v51, v3  }
0x85: {  	v1 =	vmul.f32 v56, v1;
	v0 =	vadd.f32 v54, v0;
	v3 =	vadd.f32 v59, v11  }
0x86: {  	v63 =	vcvt.s32.f32 v57;
	v61 =	vand.u32 $0x7FFFFFFF, v58  }
0x87: {  	v0 =	vadd.f32 v1, v0;
	v62 =	vmul.f32 v60, v3;
	v1 =	vadd.f32 v61, v13;
	_ =	sdelay $0x1  }
0x88: {  	v0 =	vadd.f32 v62, v0;
	v1 =	vmul.f32 v63, v1;
	_ =	sdelay $0x1  }
0x89: {  	v0 =	vadd.f32 v1, v0;
	_ =	sdelay $0x1  }
0x8a: {  	s5 =	sadd.s32 s5, s3;
	s6 =	simm.s32 $0x380;
	[tilespmem:$0x380] =	vst v0  }
0x8b: {  	[spmem:s5] =	stream.linear.scatter [tilespmem:s6], [sflag:$0x4], $0x10, $0x38;
	[tilespmem:$0x510] =	vst v63  }
0x8c: {  	s5 =	simm.s32 $0x4  }
0x8d: {  	_ =	swait.ge [sflag:s5], $0x10  }
0x8e: {  	[sflag:s5] =	ssyncset.done $0x0  }
0x8f: {  	[sflag:s5] =	ssyncadd.s32 $0xFFFFFFF0  }
0x90: {  	p0 =	sne.s32 s4, $0x0;
	[bflag:$0x0] =	sbarrier.arrive $0xFFFF  }
0x91: {  	_ =	sfence.sel @p0 $0x180000  }
0x92: {  	[bflag:$0x0] =	sbarrier.arrive @p0 $0xFFFF  }
0x93: {  	_ =	strace @p0 $0x90000047  }
0x94: {  	[bflag:$0x2] =	sbarrier.arrive @p0 $0xFFFF  }
0x95: {  	_ =	shalt @p0  }
.LBB2_1:
0x96: {  	s4 =	simm.s32 $0x400  }
0x97: {  	[tilespmem:s4], [sflag:$0x4] =	stream.linear.gather [spmem:s3], $0x100, $0x38;
	[tilespmem:$0x510] =	vst v63  }
0x98: {  	_ =	swait.ge [sflag:s5], $0x100  }
0x99: {  	[sflag:s5] =	ssyncset.done $0x0  }
0x9a: {  	[sflag:s5] =	ssyncadd.s32 $0xFFFFFF00  }
0x9b: {  	v0 =	vld [tilespmem:$0x400];
	_ =	sdelay $0x1  }
0x9c: {  	v1 =	vld [tilespmem:$0x410];
	_ =	sdelay $0x1  }
0x9d: {  	v2 =	vld [tilespmem:$0x420]  }
0x9e: {  	v0 =	vadd.f32 $0.0e+00, v0  }
0x9f: {  	v3 =	vld [tilespmem:$0x430]  }
0xa0: {  	v0 =	vadd.f32 v1, v0  }
0xa1: {  	v51 =	vld [tilespmem:$0x440]  }
0xa2: {  	v0 =	vadd.f32 v2, v0  }
0xa3: {  	v52 =	vld [tilespmem:$0x450]  }
0xa4: {  	v0 =	vadd.f32 v3, v0  }
0xa5: {  	v53 =	vld [tilespmem:$0x460]  }
0xa6: {  	v0 =	vadd.f32 v51, v0  }
0xa7: {  	v54 =	vld [tilespmem:$0x470]  }
0xa8: {  	v0 =	vadd.f32 v52, v0  }
0xa9: {  	v55 =	vld [tilespmem:$0x480]  }
0xaa: {  	v0 =	vadd.f32 v53, v0  }
0xab: {  	v56 =	vld [tilespmem:$0x490]  }
0xac: {  	v0 =	vadd.f32 v54, v0  }
0xad: {  	v57 =	vld [tilespmem:$0x4A0]  }
0xae: {  	v0 =	vadd.f32 v55, v0  }
0xaf: {  	v58 =	vld [tilespmem:$0x4B0]  }
0xb0: {  	v0 =	vadd.f32 v56, v0  }
0xb1: {  	v59 =	vld [tilespmem:$0x4C0]  }
0xb2: {  	v0 =	vadd.f32 v57, v0  }
0xb3: {  	v60 =	vld [tilespmem:$0x4D0]  }
0xb4: {  	v0 =	vadd.f32 v58, v0  }
0xb5: {  	v61 =	vld [tilespmem:$0x4E0]  }
0xb6: {  	v0 =	vadd.f32 v59, v0  }
0xb7: {  	v62 =	vld [tilespmem:$0x4F0]  }
0xb8: {  	v0 =	vadd.f32 v60, v0;
	_ =	sdelay $0x1  }
0xb9: {  	v0 =	vadd.f32 v61, v0;
	_ =	sdelay $0x1  }
0xba: {  	v0 =	vadd.f32 v62, v0;
	_ =	sdelay $0x1  }
0xbb: {  	(v2sf) =	vpush v0, $0x0;
	_ =	sdelay $0x1  }
0xbc: {  	(v2sf) =	vpush v0, $0x1;
	_ =	sdelay $0x1  }
0xbd: {  	(v2sf) =	vpush v0, $0x2;
	_ =	sdelay $0x1  }
0xbe: {  	(v2sf) =	vpush v0, $0x3;
	_ =	sdelay $0x1  }
0xbf: {  	(v2sf) =	vpush v0, $0x4;
	_ =	sdelay $0x1  }
0xc0: {  	(v2sf) =	vpush v0, $0x5;
	_ =	sdelay $0x1  }
0xc1: {  	(v2sf) =	vpush v0, $0x6;
	_ =	sdelay $0x1  }
0xc2: {  	(v2sf) =	vpush v0, $0x7  }
0xc3: {  	s15 =	spop (v2sf)  }
0xc4: {  	(v2sf) =	vpush v0, $0x8;
	s3 =	sadd.f32 $0.0e+00, s15  }
0xc5: {  	s16 =	spop (v2sf)  }
0xc6: {  	(v2sf) =	vpush v0, $0x9;
	s3 =	sadd.f32 s3, s16  }
0xc7: {  	s17 =	spop (v2sf)  }
0xc8: {  	(v2sf) =	vpush v0, $0xA;
	s3 =	sadd.f32 s3, s17  }
0xc9: {  	s18 =	spop (v2sf)  }
0xca: {  	(v2sf) =	vpush v0, $0xB;
	s3 =	sadd.f32 s3, s18  }
0xcb: {  	s19 =	spop (v2sf)  }
0xcc: {  	(v2sf) =	vpush v0, $0xC;
	s3 =	sadd.f32 s3, s19  }
0xcd: {  	s20 =	spop (v2sf)  }
0xce: {  	(v2sf) =	vpush v0, $0xD;
	s3 =	sadd.f32 s3, s20  }
0xcf: {  	s21 =	spop (v2sf)  }
0xd0: {  	(v2sf) =	vpush v0, $0xE;
	s3 =	sadd.f32 s3, s21  }
0xd1: {  	s22 =	spop (v2sf)  }
0xd2: {  	(v2sf) =	vpush v0, $0xF;
	s3 =	sadd.f32 s3, s22  }
0xd3: {  	s23 =	spop (v2sf)  }
0xd4: {  	s3 =	sadd.f32 s3, s23  }
0xd5: {  	s24 =	spop (v2sf)  }
0xd6: {  	s3 =	sadd.f32 s3, s24  }
0xd7: {  	s25 =	spop (v2sf)  }
0xd8: {  	s3 =	sadd.f32 s3, s25  }
0xd9: {  	s26 =	spop (v2sf)  }
0xda: {  	s3 =	sadd.f32 s3, s26  }
0xdb: {  	s28 =	spop (v2sf)  }
0xdc: {  	s3 =	sadd.f32 s3, s28  }
0xdd: {  	s29 =	spop (v2sf)  }
0xde: {  	s3 =	sadd.f32 s3, s29  }
0xdf: {  	s30 =	spop (v2sf)  }
0xe0: {  	s3 =	sadd.f32 s3, s30  }
0xe1: {  	s31 =	spop (v2sf)  }
0xe2: {  	s3 =	sadd.f32 s3, s31;
	_ =	sdelay $0x1  }
0xe3: {  	s3 =	smul.f32 $4.882812500e-04, s3;
	_ =	sdelay $0x1  }
0xe4: {  	v63 =	vmov s3  }
0xe5: {  	[tilespmem:$0x380] =	vst v63  }
0xe6: {  	[hbm4b:s1+s2] =	stream.linear.scatter [tilespmem:s6], [sflag:$0x4], $0x80, $0x38;
	[tilespmem:$0x510] =	vst v63  }
0xe7: {  	_ =	swait.ge [sflag:s5], $0x80  }
0xe8: {  	[sflag:s5] =	ssyncset.done $0x0  }
0xe9: {  	[sflag:s5] =	ssyncadd.s32 $0xFFFFFF80  }
0xea: {  	_ =	sfence.sel $0x180000  }
0xeb: {  	[bflag:$0x0] =	sbarrier.arrive $0xFFFF  }
0xec: {  	_ =	strace $0x90000047  }
0xed: {  	s0 =	sadd.s32 $0x100000, s0;
	[bflag:$0x2] =	sbarrier.arrive $0xFFFF  }
0xee: {  	[sflag:s0] =	ssyncadd.tile.s32 $0x1;
	_ =	shalt  }
.Lfunc_end2:
_tile_overlayer_lowered:
.L_overlay_start_2:
0xef: {  	(tag) =	ssettag $0x2  }
0xf0: {  	s0 =	rddreg [dreg:$0x0];
	s2 =	stileid.u32  }
0xf1: {  	s1 =	rddreg [dreg:$0x1];
	p0 =	sne.s32 s2, $0x0  }
0xf2: {  	s3 =	rddreg [dreg:$0x2];
	[bflag:$0x3] =	sbarrier.arrive $0xFFFF;
	s2 =	simm.s32 @!p0 $0x1C04  }
0xf3: {  	[timem:s3], [sflag:s2] =	dma.local @!p0 [hbm:s0], s1  }
0xf4: {  	s0 =	simm.s32 @!p0 $0x4  }
0xf5: {  	_ =	swait.ge @!p0 [sflag:s0], s1  }
0xf6: {  	s1 =	ssub.s32 @!p0 $0x0, s1;
	[sflag:s0] =	ssyncset.done @!p0 $0x0  }
0xf7: {  	[sflag:s0] =	ssyncadd.s32 @!p0 s1  }
0xf8: {  	[bflag:$0x3] =	sbarrier.arrive $0xFFFF  }
0xf9: {  	_ =	shalt  }

</sc_bundles>
